<compile_context>
chip_gen: v7x
topology: tpu7x:2x2x1
jax: 0.10.2.dev20260603
libtpu: 0.0.44.dev20260713+nightly
codegen_flags: <defaults>
</compile_context>

<pallas_src>
import functools

import jax
import jax.numpy as jnp
from jax import lax
from jax.experimental import pallas as pl
from jax.experimental.pallas import tpu as pltpu
from jax.experimental.pallas import tpu_sc as plsc

N_NODES = 10000
N_EDGES = 320000
D_FEAT = 128
N_LABELS = 10

NS = 16
NC = 2
L = 16
N_PAD = 10240
NODES_PER_TILE = N_PAD // NS
E_BUF = 20096
E_LAST_BASE = N_EDGES - E_BUF
E_SKIP = 15 * E_BUF - E_LAST_BASE
E_LAST = E_BUF - E_SKIP


def _rsqrt16(d):
    i = plsc.bitcast(d, jnp.int32)
    i = jnp.int32(0x5F3759DF) - lax.shift_right_logical(i, 1)
    y = plsc.bitcast(i, jnp.float32)
    for _ in range(3):
        y = y * (jnp.float32(1.5) - jnp.float32(0.5) * d * y * y)
    return y


def _sc_body(edge_hbm, dinv_out, t_out,
             ebuf, acc, dinv_v, red_v, stage, hist_s, dinv_s, sem_e):
    c = lax.axis_index("c")
    t = lax.axis_index("s")

    def zero_acc():
        @plsc.parallel_loop(0, N_PAD // L, unroll=4)
        def _(j):
            acc[pl.ds(j * L, L)] = jnp.zeros((L,), jnp.float32)

    is_last = t == NS - 1
    ebase = jnp.where(is_last, E_LAST_BASE, t * E_BUF)
    off = jnp.where(is_last, E_SKIP, 0)
    n_mine = jnp.where(is_last, E_LAST, E_BUF)
    cp_e = pltpu.async_copy(edge_hbm.at[:, pl.ds(ebase, E_BUF)], ebuf, sem_e)
    zero_acc()
    cp_e.wait()

    @plsc.parallel_loop(off // L, (off + n_mine) // L, unroll=8)
    def _(i):
        idx = ebuf[1, pl.ds(i * L, L)]
        plsc.addupdate_scatter(acc, [idx], jnp.ones((L,), jnp.float32))

    pltpu.sync_copy(acc, hist_s.at[t])
    plsc.subcore_barrier()

    base = t * NODES_PER_TILE
    pltpu.sync_copy(hist_s.at[:, pl.ds(base, NODES_PER_TILE)], red_v)
    zero_acc()

    @plsc.parallel_loop(0, NODES_PER_TILE // L, unroll=2)
    def _(j):
        deg = jnp.ones((L,), jnp.float32)
        for r in range(NS):
            deg = deg + red_v[r, pl.ds(j * L, L)]
        stage[pl.ds(j * L, L)] = _rsqrt16(deg)

    pltpu.sync_copy(stage, dinv_s.at[pl.ds(base, NODES_PER_TILE)])

    @pl.when(c == 0)
    def _():
        pltpu.sync_copy(stage, dinv_out.at[pl.ds(base, NODES_PER_TILE)])

    plsc.subcore_barrier()
    pltpu.sync_copy(dinv_s, dinv_v)

    half = n_mine // 2
    dlo = (off + c * half) // L
    dhi = (off + c * half + half) // L

    @plsc.parallel_loop(dlo, dhi, unroll=8)
    def _(i):
        d_idx = ebuf[1, pl.ds(i * L, L)]
        s_idx = ebuf[0, pl.ds(i * L, L)]
        vals = plsc.load_gather(dinv_v, [d_idx])
        plsc.addupdate_scatter(acc, [s_idx], vals)

    pltpu.sync_copy(acc, hist_s.at[t])
    plsc.subcore_barrier()

    pltpu.sync_copy(hist_s.at[:, pl.ds(base, NODES_PER_TILE)], red_v)

    @plsc.parallel_loop(0, NODES_PER_TILE // L, unroll=2)
    def _(j):
        tv = jnp.zeros((L,), jnp.float32)
        for r in range(NS):
            tv = tv + red_v[r, pl.ds(j * L, L)]
        stage[pl.ds(j * L, L)] = tv

    pltpu.sync_copy(stage, t_out.at[c, pl.ds(base, NODES_PER_TILE)])


_sc_edges = pl.kernel(
    _sc_body,
    out_type=(
        jax.ShapeDtypeStruct((N_PAD,), jnp.float32),
        jax.ShapeDtypeStruct((NC, N_PAD), jnp.float32),
    ),
    mesh=plsc.VectorSubcoreMesh(core_axis_name="c", subcore_axis_name="s",
                                num_cores=NC, num_subcores=NS),
    scratch_types=[
        pltpu.VMEM((2, E_BUF), jnp.int32),
        pltpu.VMEM((N_PAD,), jnp.float32),
        pltpu.VMEM((N_PAD,), jnp.float32),
        pltpu.VMEM((NS, NODES_PER_TILE), jnp.float32),
        pltpu.VMEM((NODES_PER_TILE,), jnp.float32),
        pltpu.VMEM_SHARED((NS, N_PAD), jnp.float32),
        pltpu.VMEM_SHARED((N_PAD,), jnp.float32),
        pltpu.SemaphoreType.DMA,
    ],
    compiler_params=pltpu.CompilerParams(needs_layout_passes=False),
)


def _tc_body(dinv_ref, t_ref, x_ref, W_ref, b_ref, W2_ref, b2_ref, out_ref):
    dinv = dinv_ref[...]
    w = dinv * (dinv + t_ref[0:1, :] + t_ref[1:2, :])
    wm = w[:, :N_NODES]
    hp = jax.lax.Precision.HIGHEST
    xb = x_ref[...].astype(jnp.bfloat16).astype(jnp.float32)
    Wb = W_ref[...].astype(jnp.bfloat16).astype(jnp.float32)
    s = jnp.dot(wm, xb, preferred_element_type=jnp.float32, precision=hp)
    pooled = jnp.dot(s, Wb, preferred_element_type=jnp.float32, precision=hp)
    pooled = pooled + jnp.float32(N_NODES) * b_ref[...]
    z = jnp.dot(pooled, W2_ref[...], preferred_element_type=jnp.float32)
    out_ref[...] = jax.nn.sigmoid(z + b2_ref[...])


_tc_tail = pl.pallas_call(
    _tc_body,
    out_shape=jax.ShapeDtypeStruct((1, N_LABELS), jnp.float32),
)


@jax.jit
def kernel(x, edge_index, W, b, W2, b2):
    ei = edge_index.astype(jnp.int32)
    dinv, t_part = _sc_edges(ei)
    out = _tc_tail(dinv.reshape(1, N_PAD), t_part, x, W,
                   b.reshape(1, -1), W2, b2.reshape(1, -1))
    return out[0]

# --- scband reference (transcript-rebuilt; emitter-appended) ---
"""Pipeline reference for scband-gcn-6038724018311 (READ-ONLY COPY).

The authoritative reference and input builder live on the scoring server;
editing this copy changes nothing except your own understanding.
"""

import jax, jax.numpy as jnp
import numpy as np

N_NODES = 10000
N_EDGES = 320000
D_FEAT = 128
N_HIDDEN = 128
N_LABELS = 10


def setup_inputs(seed: int = 0) -> dict:
    key = jax.random.key(seed)
    k1, k2, k3, k4, k5, k6 = jax.random.split(key, 6)
    x = jax.random.normal(k1, (N_NODES, D_FEAT), dtype=jnp.float32)
    edge_index = jax.random.randint(k2, (2, N_EDGES), 0, N_NODES, dtype=jnp.int64)
    W = jax.random.normal(k3, (D_FEAT, N_HIDDEN), dtype=jnp.float32) * 0.05
    b = jnp.zeros((N_HIDDEN,), dtype=jnp.float32)
    W2 = jax.random.normal(k4, (N_HIDDEN, N_LABELS), dtype=jnp.float32) * 0.05
    b2 = jnp.zeros((N_LABELS,), dtype=jnp.float32)
    return {"x": x, "edge_index": edge_index, "W": W, "b": b, "W2": W2, "b2": b2}


def reference(x, edge_index, W, b, W2, b2):
    # GCNConv (Kipf & Welling): D^-1/2 (A + I) D^-1/2 (X W) + b
    N = x.shape[0]
    loop = jnp.arange(N, dtype=edge_index.dtype)
    src = jnp.concatenate([edge_index[0], loop])
    dst = jnp.concatenate([edge_index[1], loop])
    # symmetric-normalized degrees (on A_hat = A + I)
    deg = jnp.zeros((N,), dtype=x.dtype).at[dst].add(1.0)
    dinv = jnp.where(deg > 0, 1.0 / jnp.sqrt(deg), 0.0)
    # transform then propagate (spektral order: x @ W, then A_norm @ out)
    h = x @ W
    coef = dinv[src] * dinv[dst]
    msg = h[src] * coef[:, None]
    agg = jnp.zeros_like(h).at[dst].add(msg)
    agg = agg + b  # GCNConv bias, linear activation
    # Dropout(0.1) is identity at inference
    pooled = jnp.sum(agg, axis=0)  # GlobalSumPool over nodes
    out = jax.nn.sigmoid(pooled @ W2 + b2)  # Dense(n_labels, sigmoid)
    return out

if __name__ == "__main__":
    import jax
    _d = setup_inputs()
    print(jax.jit(kernel)(*tuple(_d.values())))

</pallas_src>

<mosaic_0001>
#map = affine_map<(d0, d1) -> (0, 0)>
#map1 = affine_map<(d0, d1) -> (0)>
module attributes {stable_mosaic.version = 14 : i64} {
  func.func @_sc_body(%arg0: i32, %arg1: i32, %arg2: memref<2x320000xi32, #tpu.memory_space<hbm>>, %arg3: memref<10240xf32, #tpu.memory_space<hbm>>, %arg4: memref<2x10240xf32, #tpu.memory_space<hbm>>, %arg5: memref<2x20096xi32, #tpu.memory_space<vmem>>, %arg6: memref<10240xf32, #tpu.memory_space<vmem>>, %arg7: memref<10240xf32, #tpu.memory_space<vmem>>, %arg8: memref<16x640xf32, #tpu.memory_space<vmem>>, %arg9: memref<640xf32, #tpu.memory_space<vmem>>, %arg10: memref<16x10240xf32, #tpu.memory_space<vmem_shared>>, %arg11: memref<10240xf32, #tpu.memory_space<vmem_shared>>, %arg12: memref<!tpu.dma_semaphore, #tpu.memory_space<semaphore_mem>>) attributes {dimension_semantics = [#tpu.dimension_semantics<core_parallel>, #tpu.dimension_semantics<subcore_parallel>], iteration_bounds = array<i64: 2, 16>, scalar_prefetch = 0 : i64, scratch_operands = 8 : i64, tpu.core_type = #tpu.core_type<sc_vector_subcore>, window_params = [{transform_indices = #map}, {transform_indices = #map1}, {transform_indices = #map}]} {
    %eq3A = arith.constant 15 : i32
    %eq3A_0 = arith.cmpi eq, %arg1, %eq3A : i32
    %mul3A = arith.constant 20096 : i32
    %mul3A_1 = arith.muli %arg1, %mul3A : i32
    %jit3A = arith.constant 299904 : i32
    %select_n3A = arith.select %eq3A_0, %jit3A, %mul3A_1 : i32
    %jit3A_2 = arith.constant 1536 : i32
    %jit3A_3 = arith.constant 0 : i32
    %select_n3A_4 = arith.select %eq3A_0, %jit3A_2, %jit3A_3 : i32
    %jit3A_5 = arith.constant 18560 : i32
    %jit3A_6 = arith.constant 20096 : i32
    %select_n3A_7 = arith.select %eq3A_0, %jit3A_5, %jit3A_6 : i32
    %dma_start3A = arith.constant 0 : i32
    %dma_start3A_8 = tpu.memref_slice %arg2[%dma_start3A, %select_n3A] : memref<2x320000xi32, #tpu.memory_space<hbm>> -> memref<2x20096xi32, #tpu.memory_space<hbm>>
    %dma_start3A_9 = arith.constant 0 : i32
    %dma_start3A_10 = tpu.memref_slice %arg2[%dma_start3A_9, %select_n3A] : memref<2x320000xi32, #tpu.memory_space<hbm>> -> memref<2x20096xi32, #tpu.memory_space<hbm>>
    tpu.enqueue_dma source(%dma_start3A_10 : memref<2x20096xi32, #tpu.memory_space<hbm>>) target(%arg5 : memref<2x20096xi32, #tpu.memory_space<vmem>>) target_semaphore(%arg12 : memref<!tpu.dma_semaphore, #tpu.memory_space<semaphore_mem>>)
    %parallel_loop3A = arith.constant 0 : i32
    %parallel_loop3A_11 = arith.constant 640 : i32
    %parallel_loop3A_12 = arith.constant 1 : i32
    scf.for %parallel_loop3A_153 = %parallel_loop3A to %parallel_loop3A_11 step %parallel_loop3A_12  : i32 {
      %parallel_loop3A_154 = arith.constant 0.000000e+00 : f32
      %parallel_loop3A_155 = vector.broadcast %parallel_loop3A_154 : f32 to vector<16xf32>
      %parallel_loop3A_156 = arith.constant 16 : i32
      %parallel_loop3A_157 = arith.muli %parallel_loop3A_153, %parallel_loop3A_156 : i32
      %parallel_loop3A_158 = arith.index_cast %parallel_loop3A_157 : i32 to index
      %parallel_loop3A_159 = tpu.vector_load %arg6[%parallel_loop3A_158] {strides = array<i32>} : memref<10240xf32, #tpu.memory_space<vmem>>, vector<16xf32>,
      tpu.vector_store %arg6[%parallel_loop3A_158], %parallel_loop3A_155 {strides = array<i32>} : memref<10240xf32, #tpu.memory_space<vmem>>, vector<16xf32>,
    } {sc.loop_unroll_factor = 4 : i64, sc.parallel_access}
    %dma_wait3A = arith.constant 0 : i32
    %dma_wait3A_13 = tpu.memref_slice %arg2[%dma_wait3A, %select_n3A] : memref<2x320000xi32, #tpu.memory_space<hbm>> -> memref<2x20096xi32, #tpu.memory_space<hbm>>
    %dma_wait3A_14 = arith.constant 0 : i32
    %dma_wait3A_15 = tpu.memref_slice %arg2[%dma_wait3A_14, %select_n3A] : memref<2x320000xi32, #tpu.memory_space<hbm>> -> memref<2x20096xi32, #tpu.memory_space<hbm>>
    tpu.wait_dma2 semaphore(%arg12 : memref<!tpu.dma_semaphore, #tpu.memory_space<semaphore_mem>>) src(%dma_wait3A_15 : memref<2x20096xi32, #tpu.memory_space<hbm>>) dst(%arg5 : memref<2x20096xi32, #tpu.memory_space<vmem>>)
    %jit3A_16 = arith.constant 16 : i32
    %div3A = arith.divsi %select_n3A_4, %jit3A_16 : i32
    %sign3A = arith.constant 0 : i32
    %sign3A_17 = arith.cmpi sgt, %select_n3A_4, %sign3A : i32
    %sign3A_18 = arith.extui %sign3A_17 : i1 to i32
    %sign3A_19 = arith.constant 0 : i32
    %sign3A_20 = arith.cmpi slt, %select_n3A_4, %sign3A_19 : i32
    %sign3A_21 = arith.extui %sign3A_20 : i1 to i32
    %sign3A_22 = arith.subi %sign3A_18, %sign3A_21 : i32
    %sign3A_23 = arith.constant 0 : i32
    %sign3A_24 = arith.cmpi sgt, %jit3A_16, %sign3A_23 : i32
    %sign3A_25 = arith.extui %sign3A_24 : i1 to i32
    %sign3A_26 = arith.constant 0 : i32
    %sign3A_27 = arith.cmpi slt, %jit3A_16, %sign3A_26 : i32
    %sign3A_28 = arith.extui %sign3A_27 : i1 to i32
    %sign3A_29 = arith.subi %sign3A_25, %sign3A_28 : i32
    %ne3A = arith.cmpi ne, %sign3A_22, %sign3A_29 : i32
    %rem3A = arith.remsi %select_n3A_4, %jit3A_16 : i32
    %ne3A_30 = arith.constant 0 : i32
    %ne3A_31 = arith.cmpi ne, %rem3A, %ne3A_30 : i32
    %and3A = arith.andi %ne3A, %ne3A_31 : i1
    %sub3A = arith.constant 1 : i32
    %sub3A_32 = arith.subi %div3A, %sub3A : i32
    %select_n3A_33 = arith.select %and3A, %sub3A_32, %div3A : i32
    %add3A = arith.addi %select_n3A_4, %select_n3A_7 : i32
    %jit3A_34 = arith.constant 16 : i32
    %div3A_35 = arith.divsi %add3A, %jit3A_34 : i32
    %sign3A_36 = arith.constant 0 : i32
    %sign3A_37 = arith.cmpi sgt, %add3A, %sign3A_36 : i32
    %sign3A_38 = arith.extui %sign3A_37 : i1 to i32
    %sign3A_39 = arith.constant 0 : i32
    %sign3A_40 = arith.cmpi slt, %add3A, %sign3A_39 : i32
    %sign3A_41 = arith.extui %sign3A_40 : i1 to i32
    %sign3A_42 = arith.subi %sign3A_38, %sign3A_41 : i32
    %sign3A_43 = arith.constant 0 : i32
    %sign3A_44 = arith.cmpi sgt, %jit3A_34, %sign3A_43 : i32
    %sign3A_45 = arith.extui %sign3A_44 : i1 to i32
    %sign3A_46 = arith.constant 0 : i32
    %sign3A_47 = arith.cmpi slt, %jit3A_34, %sign3A_46 : i32
    %sign3A_48 = arith.extui %sign3A_47 : i1 to i32
    %sign3A_49 = arith.subi %sign3A_45, %sign3A_48 : i32
    %ne3A_50 = arith.cmpi ne, %sign3A_42, %sign3A_49 : i32
    %rem3A_51 = arith.remsi %add3A, %jit3A_34 : i32
    %ne3A_52 = arith.constant 0 : i32
    %ne3A_53 = arith.cmpi ne, %rem3A_51, %ne3A_52 : i32
    %and3A_54 = arith.andi %ne3A_50, %ne3A_53 : i1
    %sub3A_55 = arith.constant 1 : i32
    %sub3A_56 = arith.subi %div3A_35, %sub3A_55 : i32
    %select_n3A_57 = arith.select %and3A_54, %sub3A_56, %div3A_35 : i32
    %parallel_loop3A_58 = arith.constant 1 : i32
    scf.for %parallel_loop3A_153 = %select_n3A_33 to %select_n3A_57 step %parallel_loop3A_58  : i32 {
      %parallel_loop3A_154 = arith.constant 16 : i32
      %parallel_loop3A_155 = arith.muli %parallel_loop3A_153, %parallel_loop3A_154 : i32
      %parallel_loop3A_156 = arith.constant 1 : i32
      %parallel_loop3A_157 = arith.index_cast %parallel_loop3A_156 : i32 to index
      %parallel_loop3A_158 = arith.index_cast %parallel_loop3A_155 : i32 to index
      %parallel_loop3A_159 = tpu.vector_load %arg5[%parallel_loop3A_157, %parallel_loop3A_158] {strides = array<i32>} : memref<2x20096xi32, #tpu.memory_space<vmem>>, vector<16xi32>,
      %parallel_loop3A_160 = arith.constant 1.000000e+00 : f32
      %parallel_loop3A_161 = vector.broadcast %parallel_loop3A_160 : f32 to vector<16xf32>
      tpu.vector_store_idx %arg6[%parallel_loop3A_159], %parallel_loop3A_161 {add = true} : memref<10240xf32, #tpu.memory_space<vmem>>[vector<16xi32>], vector<16xf32>,
    } {sc.loop_unroll_factor = 8 : i64, sc.parallel_access}
    "tpu.region"() ({
      %run_scoped3A = tpu.sem_alloc : memref<!tpu.dma_semaphore, #tpu.memory_space<semaphore_mem>>
      %dma_start3A_153 = arith.constant 0 : i32
      %dma_start3A_154 = tpu.memref_slice %arg10[%arg1, %dma_start3A_153] : memref<16x10240xf32, #tpu.memory_space<vmem_shared>> -> memref<1x10240xf32, #tpu.memory_space<vmem_shared>>
      %dma_start3A_155 = tpu.memref_squeeze %dma_start3A_154 : memref<1x10240xf32, #tpu.memory_space<vmem_shared>> -> memref<10240xf32, #tpu.memory_space<vmem_shared>>
      %dma_start3A_156 = arith.constant 0 : i32
      %dma_start3A_157 = tpu.memref_slice %arg10[%arg1, %dma_start3A_156] : memref<16x10240xf32, #tpu.memory_space<vmem_shared>> -> memref<1x10240xf32, #tpu.memory_space<vmem_shared>>
      %dma_start3A_158 = tpu.memref_squeeze %dma_start3A_157 : memref<1x10240xf32, #tpu.memory_space<vmem_shared>> -> memref<10240xf32, #tpu.memory_space<vmem_shared>>
      tpu.enqueue_dma source(%arg6 : memref<10240xf32, #tpu.memory_space<vmem>>) target(%dma_start3A_158 : memref<10240xf32, #tpu.memory_space<vmem_shared>>) target_semaphore(%run_scoped3A : memref<!tpu.dma_semaphore, #tpu.memory_space<semaphore_mem>>)
      %dma_wait3A_159 = arith.constant 0 : i32
      %dma_wait3A_160 = tpu.memref_slice %arg10[%arg1, %dma_wait3A_159] : memref<16x10240xf32, #tpu.memory_space<vmem_shared>> -> memref<1x10240xf32, #tpu.memory_space<vmem_shared>>
      %dma_wait3A_161 = tpu.memref_squeeze %dma_wait3A_160 : memref<1x10240xf32, #tpu.memory_space<vmem_shared>> -> memref<10240xf32, #tpu.memory_space<vmem_shared>>
      %dma_wait3A_162 = arith.constant 0 : i32
      %dma_wait3A_163 = tpu.memref_slice %arg10[%arg1, %dma_wait3A_162] : memref<16x10240xf32, #tpu.memory_space<vmem_shared>> -> memref<1x10240xf32, #tpu.memory_space<vmem_shared>>
      %dma_wait3A_164 = tpu.memref_squeeze %dma_wait3A_163 : memref<1x10240xf32, #tpu.memory_space<vmem_shared>> -> memref<10240xf32, #tpu.memory_space<vmem_shared>>
      tpu.wait_dma2 semaphore(%run_scoped3A : memref<!tpu.dma_semaphore, #tpu.memory_space<semaphore_mem>>) src(%arg6 : memref<10240xf32, #tpu.memory_space<vmem>>) dst(%dma_wait3A_164 : memref<10240xf32, #tpu.memory_space<vmem_shared>>)
      tpu.yield
    }) : () -> ()
    %barrier3A = arith.constant 0 : index
    tpu.barrier barrier_id(%barrier3A)
    %mul3A_59 = arith.constant 640 : i32
    %mul3A_60 = arith.muli %arg1, %mul3A_59 : i32
    "tpu.region"() ({
      %run_scoped3A = tpu.sem_alloc : memref<!tpu.dma_semaphore, #tpu.memory_space<semaphore_mem>>
      %dma_start3A_153 = arith.constant 0 : i32
      %dma_start3A_154 = tpu.memref_slice %arg10[%dma_start3A_153, %mul3A_60] : memref<16x10240xf32, #tpu.memory_space<vmem_shared>> -> memref<16x640xf32, #tpu.memory_space<vmem_shared>>
      %dma_start3A_155 = arith.constant 0 : i32
      %dma_start3A_156 = tpu.memref_slice %arg10[%dma_start3A_155, %mul3A_60] : memref<16x10240xf32, #tpu.memory_space<vmem_shared>> -> memref<16x640xf32, #tpu.memory_space<vmem_shared>>
      tpu.enqueue_dma source(%dma_start3A_156 : memref<16x640xf32, #tpu.memory_space<vmem_shared>>) target(%arg8 : memref<16x640xf32, #tpu.memory_space<vmem>>) target_semaphore(%run_scoped3A : memref<!tpu.dma_semaphore, #tpu.memory_space<semaphore_mem>>)
      %dma_wait3A_157 = arith.constant 0 : i32
      %dma_wait3A_158 = tpu.memref_slice %arg10[%dma_wait3A_157, %mul3A_60] : memref<16x10240xf32, #tpu.memory_space<vmem_shared>> -> memref<16x640xf32, #tpu.memory_space<vmem_shared>>
      %dma_wait3A_159 = arith.constant 0 : i32
      %dma_wait3A_160 = tpu.memref_slice %arg10[%dma_wait3A_159, %mul3A_60] : memref<16x10240xf32, #tpu.memory_space<vmem_shared>> -> memref<16x640xf32, #tpu.memory_space<vmem_shared>>
      tpu.wait_dma2 semaphore(%run_scoped3A : memref<!tpu.dma_semaphore, #tpu.memory_space<semaphore_mem>>) src(%dma_wait3A_160 : memref<16x640xf32, #tpu.memory_space<vmem_shared>>) dst(%arg8 : memref<16x640xf32, #tpu.memory_space<vmem>>)
      tpu.yield
    }) : () -> ()
    %parallel_loop3A_61 = arith.constant 0 : i32
    %parallel_loop3A_62 = arith.constant 640 : i32
    %parallel_loop3A_63 = arith.constant 1 : i32
    scf.for %parallel_loop3A_153 = %parallel_loop3A_61 to %parallel_loop3A_62 step %parallel_loop3A_63  : i32 {
      %parallel_loop3A_154 = arith.constant 0.000000e+00 : f32
      %parallel_loop3A_155 = vector.broadcast %parallel_loop3A_154 : f32 to vector<16xf32>
      %parallel_loop3A_156 = arith.constant 16 : i32
      %parallel_loop3A_157 = arith.muli %parallel_loop3A_153, %parallel_loop3A_156 : i32
      %parallel_loop3A_158 = arith.index_cast %parallel_loop3A_157 : i32 to index
      %parallel_loop3A_159 = tpu.vector_load %arg6[%parallel_loop3A_158] {strides = array<i32>} : memref<10240xf32, #tpu.memory_space<vmem>>, vector<16xf32>,
      tpu.vector_store %arg6[%parallel_loop3A_158], %parallel_loop3A_155 {strides = array<i32>} : memref<10240xf32, #tpu.memory_space<vmem>>, vector<16xf32>,
    } {sc.loop_unroll_factor = 4 : i64, sc.parallel_access}
    %parallel_loop3A_64 = arith.constant 0 : i32
    %parallel_loop3A_65 = arith.constant 40 : i32
    %parallel_loop3A_66 = arith.constant 1 : i32
    scf.for %parallel_loop3A_153 = %parallel_loop3A_64 to %parallel_loop3A_65 step %parallel_loop3A_66  : i32 {
      %parallel_loop3A_154 = arith.constant 1.000000e+00 : f32
      %parallel_loop3A_155 = vector.broadcast %parallel_loop3A_154 : f32 to vector<16xf32>
      %parallel_loop3A_156 = arith.constant 16 : i32
      %parallel_loop3A_157 = arith.muli %parallel_loop3A_153, %parallel_loop3A_156 : i32
      %parallel_loop3A_158 = arith.constant 0 : i32
      %parallel_loop3A_159 = arith.index_cast %parallel_loop3A_158 : i32 to index
      %parallel_loop3A_160 = arith.index_cast %parallel_loop3A_157 : i32 to index
      %parallel_loop3A_161 = tpu.vector_load %arg8[%parallel_loop3A_159, %parallel_loop3A_160] {strides = array<i32>} : memref<16x640xf32, #tpu.memory_space<vmem>>, vector<16xf32>,
      %parallel_loop3A_162 = arith.addf %parallel_loop3A_155, %parallel_loop3A_161 : vector<16xf32>
      %parallel_loop3A_163 = arith.constant 16 : i32
      %parallel_loop3A_164 = arith.muli %parallel_loop3A_153, %parallel_loop3A_163 : i32
      %parallel_loop3A_165 = arith.constant 1 : i32
      %parallel_loop3A_166 = arith.index_cast %parallel_loop3A_165 : i32 to index
      %parallel_loop3A_167 = arith.index_cast %parallel_loop3A_164 : i32 to index
      %parallel_loop3A_168 = tpu.vector_load %arg8[%parallel_loop3A_166, %parallel_loop3A_167] {strides = array<i32>} : memref<16x640xf32, #tpu.memory_space<vmem>>, vector<16xf32>,
      %parallel_loop3A_169 = arith.addf %parallel_loop3A_162, %parallel_loop3A_168 : vector<16xf32>
      %parallel_loop3A_170 = arith.constant 16 : i32
      %parallel_loop3A_171 = arith.muli %parallel_loop3A_153, %parallel_loop3A_170 : i32
      %parallel_loop3A_172 = arith.constant 2 : i32
      %parallel_loop3A_173 = arith.index_cast %parallel_loop3A_172 : i32 to index
      %parallel_loop3A_174 = arith.index_cast %parallel_loop3A_171 : i32 to index
      %parallel_loop3A_175 = tpu.vector_load %arg8[%parallel_loop3A_173, %parallel_loop3A_174] {strides = array<i32>} : memref<16x640xf32, #tpu.memory_space<vmem>>, vector<16xf32>,
      %parallel_loop3A_176 = arith.addf %parallel_loop3A_169, %parallel_loop3A_175 : vector<16xf32>
      %parallel_loop3A_177 = arith.constant 16 : i32
      %parallel_loop3A_178 = arith.muli %parallel_loop3A_153, %parallel_loop3A_177 : i32
      %parallel_loop3A_179 = arith.constant 3 : i32
      %parallel_loop3A_180 = arith.index_cast %parallel_loop3A_179 : i32 to index
      %parallel_loop3A_181 = arith.index_cast %parallel_loop3A_178 : i32 to index
      %parallel_loop3A_182 = tpu.vector_load %arg8[%parallel_loop3A_180, %parallel_loop3A_181] {strides = array<i32>} : memref<16x640xf32, #tpu.memory_space<vmem>>, vector<16xf32>,
      %parallel_loop3A_183 = arith.addf %parallel_loop3A_176, %parallel_loop3A_182 : vector<16xf32>
      %parallel_loop3A_184 = arith.constant 16 : i32
      %parallel_loop3A_185 = arith.muli %parallel_loop3A_153, %parallel_loop3A_184 : i32
      %parallel_loop3A_186 = arith.constant 4 : i32
      %parallel_loop3A_187 = arith.index_cast %parallel_loop3A_186 : i32 to index
      %parallel_loop3A_188 = arith.index_cast %parallel_loop3A_185 : i32 to index
      %parallel_loop3A_189 = tpu.vector_load %arg8[%parallel_loop3A_187, %parallel_loop3A_188] {strides = array<i32>} : memref<16x640xf32, #tpu.memory_space<vmem>>, vector<16xf32>,
      %parallel_loop3A_190 = arith.addf %parallel_loop3A_183, %parallel_loop3A_189 : vector<16xf32>
      %parallel_loop3A_191 = arith.constant 16 : i32
      %parallel_loop3A_192 = arith.muli %parallel_loop3A_153, %parallel_loop3A_191 : i32
      %parallel_loop3A_193 = arith.constant 5 : i32
      %parallel_loop3A_194 = arith.index_cast %parallel_loop3A_193 : i32 to index
      %parallel_loop3A_195 = arith.index_cast %parallel_loop3A_192 : i32 to index
      %parallel_loop3A_196 = tpu.vector_load %arg8[%parallel_loop3A_194, %parallel_loop3A_195] {strides = array<i32>} : memref<16x640xf32, #tpu.memory_space<vmem>>, vector<16xf32>,
      %parallel_loop3A_197 = arith.addf %parallel_loop3A_190, %parallel_loop3A_196 : vector<16xf32>
      %parallel_loop3A_198 = arith.constant 16 : i32
      %parallel_loop3A_199 = arith.muli %parallel_loop3A_153, %parallel_loop3A_198 : i32
      %parallel_loop3A_200 = arith.constant 6 : i32
      %parallel_loop3A_201 = arith.index_cast %parallel_loop3A_200 : i32 to index
      %parallel_loop3A_202 = arith.index_cast %parallel_loop3A_199 : i32 to index
      %parallel_loop3A_203 = tpu.vector_load %arg8[%parallel_loop3A_201, %parallel_loop3A_202] {strides = array<i32>} : memref<16x640xf32, #tpu.memory_space<vmem>>, vector<16xf32>,
      %parallel_loop3A_204 = arith.addf %parallel_loop3A_197, %parallel_loop3A_203 : vector<16xf32>
      %parallel_loop3A_205 = arith.constant 16 : i32
      %parallel_loop3A_206 = arith.muli %parallel_loop3A_153, %parallel_loop3A_205 : i32
      %parallel_loop3A_207 = arith.constant 7 : i32
      %parallel_loop3A_208 = arith.index_cast %parallel_loop3A_207 : i32 to index
      %parallel_loop3A_209 = arith.index_cast %parallel_loop3A_206 : i32 to index
      %parallel_loop3A_210 = tpu.vector_load %arg8[%parallel_loop3A_208, %parallel_loop3A_209] {strides = array<i32>} : memref<16x640xf32, #tpu.memory_space<vmem>>, vector<16xf32>,
      %parallel_loop3A_211 = arith.addf %parallel_loop3A_204, %parallel_loop3A_210 : vector<16xf32>
      %parallel_loop3A_212 = arith.constant 16 : i32
      %parallel_loop3A_213 = arith.muli %parallel_loop3A_153, %parallel_loop3A_212 : i32
      %parallel_loop3A_214 = arith.constant 8 : i32
      %parallel_loop3A_215 = arith.index_cast %parallel_loop3A_214 : i32 to index
      %parallel_loop3A_216 = arith.index_cast %parallel_loop3A_213 : i32 to index
      %parallel_loop3A_217 = tpu.vector_load %arg8[%parallel_loop3A_215, %parallel_loop3A_216] {strides = array<i32>} : memref<16x640xf32, #tpu.memory_space<vmem>>, vector<16xf32>,
      %parallel_loop3A_218 = arith.addf %parallel_loop3A_211, %parallel_loop3A_217 : vector<16xf32>
      %parallel_loop3A_219 = arith.constant 16 : i32
      %parallel_loop3A_220 = arith.muli %parallel_loop3A_153, %parallel_loop3A_219 : i32
      %parallel_loop3A_221 = arith.constant 9 : i32
      %parallel_loop3A_222 = arith.index_cast %parallel_loop3A_221 : i32 to index
      %parallel_loop3A_223 = arith.index_cast %parallel_loop3A_220 : i32 to index
      %parallel_loop3A_224 = tpu.vector_load %arg8[%parallel_loop3A_222, %parallel_loop3A_223] {strides = array<i32>} : memref<16x640xf32, #tpu.memory_space<vmem>>, vector<16xf32>,
      %parallel_loop3A_225 = arith.addf %parallel_loop3A_218, %parallel_loop3A_224 : vector<16xf32>
      %parallel_loop3A_226 = arith.constant 16 : i32
      %parallel_loop3A_227 = arith.muli %parallel_loop3A_153, %parallel_loop3A_226 : i32
      %parallel_loop3A_228 = arith.constant 10 : i32
      %parallel_loop3A_229 = arith.index_cast %parallel_loop3A_228 : i32 to index
      %parallel_loop3A_230 = arith.index_cast %parallel_loop3A_227 : i32 to index
      %parallel_loop3A_231 = tpu.vector_load %arg8[%parallel_loop3A_229, %parallel_loop3A_230] {strides = array<i32>} : memref<16x640xf32, #tpu.memory_space<vmem>>, vector<16xf32>,
      %parallel_loop3A_232 = arith.addf %parallel_loop3A_225, %parallel_loop3A_231 : vector<16xf32>
      %parallel_loop3A_233 = arith.constant 16 : i32
      %parallel_loop3A_234 = arith.muli %parallel_loop3A_153, %parallel_loop3A_233 : i32
      %parallel_loop3A_235 = arith.constant 11 : i32
      %parallel_loop3A_236 = arith.index_cast %parallel_loop3A_235 : i32 to index
      %parallel_loop3A_237 = arith.index_cast %parallel_loop3A_234 : i32 to index
      %parallel_loop3A_238 = tpu.vector_load %arg8[%parallel_loop3A_236, %parallel_loop3A_237] {strides = array<i32>} : memref<16x640xf32, #tpu.memory_space<vmem>>, vector<16xf32>,
      %parallel_loop3A_239 = arith.addf %parallel_loop3A_232, %parallel_loop3A_238 : vector<16xf32>
      %parallel_loop3A_240 = arith.constant 16 : i32
      %parallel_loop3A_241 = arith.muli %parallel_loop3A_153, %parallel_loop3A_240 : i32
      %parallel_loop3A_242 = arith.constant 12 : i32
      %parallel_loop3A_243 = arith.index_cast %parallel_loop3A_242 : i32 to index
      %parallel_loop3A_244 = arith.index_cast %parallel_loop3A_241 : i32 to index
      %parallel_loop3A_245 = tpu.vector_load %arg8[%parallel_loop3A_243, %parallel_loop3A_244] {strides = array<i32>} : memref<16x640xf32, #tpu.memory_space<vmem>>, vector<16xf32>,
      %parallel_loop3A_246 = arith.addf %parallel_loop3A_239, %parallel_loop3A_245 : vector<16xf32>
      %parallel_loop3A_247 = arith.constant 16 : i32
      %parallel_loop3A_248 = arith.muli %parallel_loop3A_153, %parallel_loop3A_247 : i32
      %parallel_loop3A_249 = arith.constant 13 : i32
      %parallel_loop3A_250 = arith.index_cast %parallel_loop3A_249 : i32 to index
      %parallel_loop3A_251 = arith.index_cast %parallel_loop3A_248 : i32 to index
      %parallel_loop3A_252 = tpu.vector_load %arg8[%parallel_loop3A_250, %parallel_loop3A_251] {strides = array<i32>} : memref<16x640xf32, #tpu.memory_space<vmem>>, vector<16xf32>,
      %parallel_loop3A_253 = arith.addf %parallel_loop3A_246, %parallel_loop3A_252 : vector<16xf32>
      %parallel_loop3A_254 = arith.constant 16 : i32
      %parallel_loop3A_255 = arith.muli %parallel_loop3A_153, %parallel_loop3A_254 : i32
      %parallel_loop3A_256 = arith.constant 14 : i32
      %parallel_loop3A_257 = arith.index_cast %parallel_loop3A_256 : i32 to index
      %parallel_loop3A_258 = arith.index_cast %parallel_loop3A_255 : i32 to index
      %parallel_loop3A_259 = tpu.vector_load %arg8[%parallel_loop3A_257, %parallel_loop3A_258] {strides = array<i32>} : memref<16x640xf32, #tpu.memory_space<vmem>>, vector<16xf32>,
      %parallel_loop3A_260 = arith.addf %parallel_loop3A_253, %parallel_loop3A_259 : vector<16xf32>
      %parallel_loop3A_261 = arith.constant 16 : i32
      %parallel_loop3A_262 = arith.muli %parallel_loop3A_153, %parallel_loop3A_261 : i32
      %parallel_loop3A_263 = arith.constant 15 : i32
      %parallel_loop3A_264 = arith.index_cast %parallel_loop3A_263 : i32 to index
      %parallel_loop3A_265 = arith.index_cast %parallel_loop3A_262 : i32 to index
      %parallel_loop3A_266 = tpu.vector_load %arg8[%parallel_loop3A_264, %parallel_loop3A_265] {strides = array<i32>} : memref<16x640xf32, #tpu.memory_space<vmem>>, vector<16xf32>,
      %parallel_loop3A_267 = arith.addf %parallel_loop3A_260, %parallel_loop3A_266 : vector<16xf32>
      %parallel_loop3A_268 = vector.bitcast %parallel_loop3A_267 : vector<16xf32> to vector<16xi32>
      %parallel_loop3A_269 = arith.constant 1 : i32
      %parallel_loop3A_270 = vector.broadcast %parallel_loop3A_269 : i32 to vector<16xi32>
      %parallel_loop3A_271 = arith.shrui %parallel_loop3A_268, %parallel_loop3A_270 : vector<16xi32>
      %parallel_loop3A_272 = arith.constant 1597463007 : i32
      %parallel_loop3A_273 = vector.broadcast %parallel_loop3A_272 : i32 to vector<16xi32>
      %parallel_loop3A_274 = arith.subi %parallel_loop3A_273, %parallel_loop3A_271 : vector<16xi32>
      %parallel_loop3A_275 = vector.bitcast %parallel_loop3A_274 : vector<16xi32> to vector<16xf32>
      %parallel_loop3A_276 = arith.constant 5.000000e-01 : f32
      %parallel_loop3A_277 = vector.broadcast %parallel_loop3A_276 : f32 to vector<16xf32>
      %parallel_loop3A_278 = arith.mulf %parallel_loop3A_277, %parallel_loop3A_267 : vector<16xf32>
      %parallel_loop3A_279 = arith.mulf %parallel_loop3A_278, %parallel_loop3A_275 : vector<16xf32>
      %parallel_loop3A_280 = arith.mulf %parallel_loop3A_279, %parallel_loop3A_275 : vector<16xf32>
      %parallel_loop3A_281 = arith.constant 1.500000e+00 : f32
      %parallel_loop3A_282 = vector.broadcast %parallel_loop3A_281 : f32 to vector<16xf32>
      %parallel_loop3A_283 = arith.subf %parallel_loop3A_282, %parallel_loop3A_280 : vector<16xf32>
      %parallel_loop3A_284 = arith.mulf %parallel_loop3A_275, %parallel_loop3A_283 : vector<16xf32>
      %parallel_loop3A_285 = arith.constant 5.000000e-01 : f32
      %parallel_loop3A_286 = vector.broadcast %parallel_loop3A_285 : f32 to vector<16xf32>
      %parallel_loop3A_287 = arith.mulf %parallel_loop3A_286, %parallel_loop3A_267 : vector<16xf32>
      %parallel_loop3A_288 = arith.mulf %parallel_loop3A_287, %parallel_loop3A_284 : vector<16xf32>
      %parallel_loop3A_289 = arith.mulf %parallel_loop3A_288, %parallel_loop3A_284 : vector<16xf32>
      %parallel_loop3A_290 = arith.constant 1.500000e+00 : f32
      %parallel_loop3A_291 = vector.broadcast %parallel_loop3A_290 : f32 to vector<16xf32>
      %parallel_loop3A_292 = arith.subf %parallel_loop3A_291, %parallel_loop3A_289 : vector<16xf32>
      %parallel_loop3A_293 = arith.mulf %parallel_loop3A_284, %parallel_loop3A_292 : vector<16xf32>
      %parallel_loop3A_294 = arith.constant 5.000000e-01 : f32
      %parallel_loop3A_295 = vector.broadcast %parallel_loop3A_294 : f32 to vector<16xf32>
      %parallel_loop3A_296 = arith.mulf %parallel_loop3A_295, %parallel_loop3A_267 : vector<16xf32>
      %parallel_loop3A_297 = arith.mulf %parallel_loop3A_296, %parallel_loop3A_293 : vector<16xf32>
      %parallel_loop3A_298 = arith.mulf %parallel_loop3A_297, %parallel_loop3A_293 : vector<16xf32>
      %parallel_loop3A_299 = arith.constant 1.500000e+00 : f32
      %parallel_loop3A_300 = vector.broadcast %parallel_loop3A_299 : f32 to vector<16xf32>
      %parallel_loop3A_301 = arith.subf %parallel_loop3A_300, %parallel_loop3A_298 : vector<16xf32>
      %parallel_loop3A_302 = arith.mulf %parallel_loop3A_293, %parallel_loop3A_301 : vector<16xf32>
      %parallel_loop3A_303 = arith.constant 16 : i32
      %parallel_loop3A_304 = arith.muli %parallel_loop3A_153, %parallel_loop3A_303 : i32
      %parallel_loop3A_305 = arith.index_cast %parallel_loop3A_304 : i32 to index
      %parallel_loop3A_306 = tpu.vector_load %arg9[%parallel_loop3A_305] {strides = array<i32>} : memref<640xf32, #tpu.memory_space<vmem>>, vector<16xf32>,
      tpu.vector_store %arg9[%parallel_loop3A_305], %parallel_loop3A_302 {strides = array<i32>} : memref<640xf32, #tpu.memory_space<vmem>>, vector<16xf32>,
    } {sc.loop_unroll_factor = 2 : i64, sc.parallel_access}
    "tpu.region"() ({
      %run_scoped3A = tpu.sem_alloc : memref<!tpu.dma_semaphore, #tpu.memory_space<semaphore_mem>>
      %dma_start3A_153 = tpu.memref_slice %arg11[%mul3A_60] : memref<10240xf32, #tpu.memory_space<vmem_shared>> -> memref<640xf32, #tpu.memory_space<vmem_shared>>
      %dma_start3A_154 = tpu.memref_slice %arg11[%mul3A_60] : memref<10240xf32, #tpu.memory_space<vmem_shared>> -> memref<640xf32, #tpu.memory_space<vmem_shared>>
      tpu.enqueue_dma source(%arg9 : memref<640xf32, #tpu.memory_space<vmem>>) target(%dma_start3A_154 : memref<640xf32, #tpu.memory_space<vmem_shared>>) target_semaphore(%run_scoped3A : memref<!tpu.dma_semaphore, #tpu.memory_space<semaphore_mem>>)
      %dma_wait3A_155 = tpu.memref_slice %arg11[%mul3A_60] : memref<10240xf32, #tpu.memory_space<vmem_shared>> -> memref<640xf32, #tpu.memory_space<vmem_shared>>
      %dma_wait3A_156 = tpu.memref_slice %arg11[%mul3A_60] : memref<10240xf32, #tpu.memory_space<vmem_shared>> -> memref<640xf32, #tpu.memory_space<vmem_shared>>
      tpu.wait_dma2 semaphore(%run_scoped3A : memref<!tpu.dma_semaphore, #tpu.memory_space<semaphore_mem>>) src(%arg9 : memref<640xf32, #tpu.memory_space<vmem>>) dst(%dma_wait3A_156 : memref<640xf32, #tpu.memory_space<vmem_shared>>)
      tpu.yield
    }) : () -> ()
    %eq3A_67 = arith.constant 0 : i32
    %eq3A_68 = arith.cmpi eq, %arg0, %eq3A_67 : i32
    %convert_element_type3A = arith.extui %eq3A_68 : i1 to i32
    %cond3A = arith.constant 0 : i32
    %cond3A_69 = arith.cmpi ne, %convert_element_type3A, %cond3A : i32
    scf.if %cond3A_69 {
      "tpu.region"() ({
        %run_scoped3A = tpu.sem_alloc : memref<!tpu.dma_semaphore, #tpu.memory_space<semaphore_mem>>
        %dma_start3A_153 = tpu.memref_slice %arg3[%mul3A_60] : memref<10240xf32, #tpu.memory_space<hbm>> -> memref<640xf32, #tpu.memory_space<hbm>>
        %dma_start3A_154 = tpu.memref_slice %arg3[%mul3A_60] : memref<10240xf32, #tpu.memory_space<hbm>> -> memref<640xf32, #tpu.memory_space<hbm>>
        tpu.enqueue_dma source(%arg9 : memref<640xf32, #tpu.memory_space<vmem>>) target(%dma_start3A_154 : memref<640xf32, #tpu.memory_space<hbm>>) target_semaphore(%run_scoped3A : memref<!tpu.dma_semaphore, #tpu.memory_space<semaphore_mem>>)
        %dma_wait3A_155 = tpu.memref_slice %arg3[%mul3A_60] : memref<10240xf32, #tpu.memory_space<hbm>> -> memref<640xf32, #tpu.memory_space<hbm>>
        %dma_wait3A_156 = tpu.memref_slice %arg3[%mul3A_60] : memref<10240xf32, #tpu.memory_space<hbm>> -> memref<640xf32, #tpu.memory_space<hbm>>
        tpu.wait_dma2 semaphore(%run_scoped3A : memref<!tpu.dma_semaphore, #tpu.memory_space<semaphore_mem>>) src(%arg9 : memref<640xf32, #tpu.memory_space<vmem>>) dst(%dma_wait3A_156 : memref<640xf32, #tpu.memory_space<hbm>>)
        tpu.yield
      }) : () -> ()
    } else {
    }
    %barrier3A_70 = arith.constant 0 : index
    tpu.barrier barrier_id(%barrier3A_70)
    "tpu.region"() ({
      %run_scoped3A = tpu.sem_alloc : memref<!tpu.dma_semaphore, #tpu.memory_space<semaphore_mem>>
      tpu.enqueue_dma source(%arg11 : memref<10240xf32, #tpu.memory_space<vmem_shared>>) target(%arg7 : memref<10240xf32, #tpu.memory_space<vmem>>) target_semaphore(%run_scoped3A : memref<!tpu.dma_semaphore, #tpu.memory_space<semaphore_mem>>)
      tpu.wait_dma2 semaphore(%run_scoped3A : memref<!tpu.dma_semaphore, #tpu.memory_space<semaphore_mem>>) src(%arg11 : memref<10240xf32, #tpu.memory_space<vmem_shared>>) dst(%arg7 : memref<10240xf32, #tpu.memory_space<vmem>>)
      tpu.yield
    }) : () -> ()
    %jit3A_71 = arith.constant 2 : i32
    %div3A_72 = arith.divsi %select_n3A_7, %jit3A_71 : i32
    %sign3A_73 = arith.constant 0 : i32
    %sign3A_74 = arith.cmpi sgt, %select_n3A_7, %sign3A_73 : i32
    %sign3A_75 = arith.extui %sign3A_74 : i1 to i32
    %sign3A_76 = arith.constant 0 : i32
    %sign3A_77 = arith.cmpi slt, %select_n3A_7, %sign3A_76 : i32
    %sign3A_78 = arith.extui %sign3A_77 : i1 to i32
    %sign3A_79 = arith.subi %sign3A_75, %sign3A_78 : i32
    %sign3A_80 = arith.constant 0 : i32
    %sign3A_81 = arith.cmpi sgt, %jit3A_71, %sign3A_80 : i32
    %sign3A_82 = arith.extui %sign3A_81 : i1 to i32
    %sign3A_83 = arith.constant 0 : i32
    %sign3A_84 = arith.cmpi slt, %jit3A_71, %sign3A_83 : i32
    %sign3A_85 = arith.extui %sign3A_84 : i1 to i32
    %sign3A_86 = arith.subi %sign3A_82, %sign3A_85 : i32
    %ne3A_87 = arith.cmpi ne, %sign3A_79, %sign3A_86 : i32
    %rem3A_88 = arith.remsi %select_n3A_7, %jit3A_71 : i32
    %ne3A_89 = arith.constant 0 : i32
    %ne3A_90 = arith.cmpi ne, %rem3A_88, %ne3A_89 : i32
    %and3A_91 = arith.andi %ne3A_87, %ne3A_90 : i1
    %sub3A_92 = arith.constant 1 : i32
    %sub3A_93 = arith.subi %div3A_72, %sub3A_92 : i32
    %select_n3A_94 = arith.select %and3A_91, %sub3A_93, %div3A_72 : i32
    %mul3A_95 = arith.muli %arg0, %select_n3A_94 : i32
    %add3A_96 = arith.addi %select_n3A_4, %mul3A_95 : i32
    %jit3A_97 = arith.constant 16 : i32
    %div3A_98 = arith.divsi %add3A_96, %jit3A_97 : i32
    %sign3A_99 = arith.constant 0 : i32
    %sign3A_100 = arith.cmpi sgt, %add3A_96, %sign3A_99 : i32
    %sign3A_101 = arith.extui %sign3A_100 : i1 to i32
    %sign3A_102 = arith.constant 0 : i32
    %sign3A_103 = arith.cmpi slt, %add3A_96, %sign3A_102 : i32
    %sign3A_104 = arith.extui %sign3A_103 : i1 to i32
    %sign3A_105 = arith.subi %sign3A_101, %sign3A_104 : i32
    %sign3A_106 = arith.constant 0 : i32
    %sign3A_107 = arith.cmpi sgt, %jit3A_97, %sign3A_106 : i32
    %sign3A_108 = arith.extui %sign3A_107 : i1 to i32
    %sign3A_109 = arith.constant 0 : i32
    %sign3A_110 = arith.cmpi slt, %jit3A_97, %sign3A_109 : i32
    %sign3A_111 = arith.extui %sign3A_110 : i1 to i32
    %sign3A_112 = arith.subi %sign3A_108, %sign3A_111 : i32
    %ne3A_113 = arith.cmpi ne, %sign3A_105, %sign3A_112 : i32
    %rem3A_114 = arith.remsi %add3A_96, %jit3A_97 : i32
    %ne3A_115 = arith.constant 0 : i32
    %ne3A_116 = arith.cmpi ne, %rem3A_114, %ne3A_115 : i32
    %and3A_117 = arith.andi %ne3A_113, %ne3A_116 : i1
    %sub3A_118 = arith.constant 1 : i32
    %sub3A_119 = arith.subi %div3A_98, %sub3A_118 : i32
    %select_n3A_120 = arith.select %and3A_117, %sub3A_119, %div3A_98 : i32
    %mul3A_121 = arith.muli %arg0, %select_n3A_94 : i32
    %add3A_122 = arith.addi %select_n3A_4, %mul3A_121 : i32
    %add3A_123 = arith.addi %add3A_122, %select_n3A_94 : i32
    %jit3A_124 = arith.constant 16 : i32
    %div3A_125 = arith.divsi %add3A_123, %jit3A_124 : i32
    %sign3A_126 = arith.constant 0 : i32
    %sign3A_127 = arith.cmpi sgt, %add3A_123, %sign3A_126 : i32
    %sign3A_128 = arith.extui %sign3A_127 : i1 to i32
    %sign3A_129 = arith.constant 0 : i32
    %sign3A_130 = arith.cmpi slt, %add3A_123, %sign3A_129 : i32
    %sign3A_131 = arith.extui %sign3A_130 : i1 to i32
    %sign3A_132 = arith.subi %sign3A_128, %sign3A_131 : i32
    %sign3A_133 = arith.constant 0 : i32
    %sign3A_134 = arith.cmpi sgt, %jit3A_124, %sign3A_133 : i32
    %sign3A_135 = arith.extui %sign3A_134 : i1 to i32
    %sign3A_136 = arith.constant 0 : i32
    %sign3A_137 = arith.cmpi slt, %jit3A_124, %sign3A_136 : i32
    %sign3A_138 = arith.extui %sign3A_137 : i1 to i32
    %sign3A_139 = arith.subi %sign3A_135, %sign3A_138 : i32
    %ne3A_140 = arith.cmpi ne, %sign3A_132, %sign3A_139 : i32
    %rem3A_141 = arith.remsi %add3A_123, %jit3A_124 : i32
    %ne3A_142 = arith.constant 0 : i32
    %ne3A_143 = arith.cmpi ne, %rem3A_141, %ne3A_142 : i32
    %and3A_144 = arith.andi %ne3A_140, %ne3A_143 : i1
    %sub3A_145 = arith.constant 1 : i32
    %sub3A_146 = arith.subi %div3A_125, %sub3A_145 : i32
    %select_n3A_147 = arith.select %and3A_144, %sub3A_146, %div3A_125 : i32
    %parallel_loop3A_148 = arith.constant 1 : i32
    scf.for %parallel_loop3A_153 = %select_n3A_120 to %select_n3A_147 step %parallel_loop3A_148  : i32 {
      %parallel_loop3A_154 = arith.constant 16 : i32
      %parallel_loop3A_155 = arith.muli %parallel_loop3A_153, %parallel_loop3A_154 : i32
      %parallel_loop3A_156 = arith.constant 1 : i32
      %parallel_loop3A_157 = arith.index_cast %parallel_loop3A_156 : i32 to index
      %parallel_loop3A_158 = arith.index_cast %parallel_loop3A_155 : i32 to index
      %parallel_loop3A_159 = tpu.vector_load %arg5[%parallel_loop3A_157, %parallel_loop3A_158] {strides = array<i32>} : memref<2x20096xi32, #tpu.memory_space<vmem>>, vector<16xi32>,
      %parallel_loop3A_160 = arith.constant 16 : i32
      %parallel_loop3A_161 = arith.muli %parallel_loop3A_153, %parallel_loop3A_160 : i32
      %parallel_loop3A_162 = arith.constant 0 : i32
      %parallel_loop3A_163 = arith.index_cast %parallel_loop3A_162 : i32 to index
      %parallel_loop3A_164 = arith.index_cast %parallel_loop3A_161 : i32 to index
      %parallel_loop3A_165 = tpu.vector_load %arg5[%parallel_loop3A_163, %parallel_loop3A_164] {strides = array<i32>} : memref<2x20096xi32, #tpu.memory_space<vmem>>, vector<16xi32>,
      %parallel_loop3A_166 = tpu.vector_load_idx %arg7[%parallel_loop3A_159] : memref<10240xf32, #tpu.memory_space<vmem>>[vector<16xi32>], vector<16xf32>,
      tpu.vector_store_idx %arg6[%parallel_loop3A_165], %parallel_loop3A_166 {add = true} : memref<10240xf32, #tpu.memory_space<vmem>>[vector<16xi32>], vector<16xf32>,
    } {sc.loop_unroll_factor = 8 : i64, sc.parallel_access}
    "tpu.region"() ({
      %run_scoped3A = tpu.sem_alloc : memref<!tpu.dma_semaphore, #tpu.memory_space<semaphore_mem>>
      %dma_start3A_153 = arith.constant 0 : i32
      %dma_start3A_154 = tpu.memref_slice %arg10[%arg1, %dma_start3A_153] : memref<16x10240xf32, #tpu.memory_space<vmem_shared>> -> memref<1x10240xf32, #tpu.memory_space<vmem_shared>>
      %dma_start3A_155 = tpu.memref_squeeze %dma_start3A_154 : memref<1x10240xf32, #tpu.memory_space<vmem_shared>> -> memref<10240xf32, #tpu.memory_space<vmem_shared>>
      %dma_start3A_156 = arith.constant 0 : i32
      %dma_start3A_157 = tpu.memref_slice %arg10[%arg1, %dma_start3A_156] : memref<16x10240xf32, #tpu.memory_space<vmem_shared>> -> memref<1x10240xf32, #tpu.memory_space<vmem_shared>>
      %dma_start3A_158 = tpu.memref_squeeze %dma_start3A_157 : memref<1x10240xf32, #tpu.memory_space<vmem_shared>> -> memref<10240xf32, #tpu.memory_space<vmem_shared>>
      tpu.enqueue_dma source(%arg6 : memref<10240xf32, #tpu.memory_space<vmem>>) target(%dma_start3A_158 : memref<10240xf32, #tpu.memory_space<vmem_shared>>) target_semaphore(%run_scoped3A : memref<!tpu.dma_semaphore, #tpu.memory_space<semaphore_mem>>)
      %dma_wait3A_159 = arith.constant 0 : i32
      %dma_wait3A_160 = tpu.memref_slice %arg10[%arg1, %dma_wait3A_159] : memref<16x10240xf32, #tpu.memory_space<vmem_shared>> -> memref<1x10240xf32, #tpu.memory_space<vmem_shared>>
      %dma_wait3A_161 = tpu.memref_squeeze %dma_wait3A_160 : memref<1x10240xf32, #tpu.memory_space<vmem_shared>> -> memref<10240xf32, #tpu.memory_space<vmem_shared>>
      %dma_wait3A_162 = arith.constant 0 : i32
      %dma_wait3A_163 = tpu.memref_slice %arg10[%arg1, %dma_wait3A_162] : memref<16x10240xf32, #tpu.memory_space<vmem_shared>> -> memref<1x10240xf32, #tpu.memory_space<vmem_shared>>
      %dma_wait3A_164 = tpu.memref_squeeze %dma_wait3A_163 : memref<1x10240xf32, #tpu.memory_space<vmem_shared>> -> memref<10240xf32, #tpu.memory_space<vmem_shared>>
      tpu.wait_dma2 semaphore(%run_scoped3A : memref<!tpu.dma_semaphore, #tpu.memory_space<semaphore_mem>>) src(%arg6 : memref<10240xf32, #tpu.memory_space<vmem>>) dst(%dma_wait3A_164 : memref<10240xf32, #tpu.memory_space<vmem_shared>>)
      tpu.yield
    }) : () -> ()
    %barrier3A_149 = arith.constant 0 : index
    tpu.barrier barrier_id(%barrier3A_149)
    "tpu.region"() ({
      %run_scoped3A = tpu.sem_alloc : memref<!tpu.dma_semaphore, #tpu.memory_space<semaphore_mem>>
      %dma_start3A_153 = arith.constant 0 : i32
      %dma_start3A_154 = tpu.memref_slice %arg10[%dma_start3A_153, %mul3A_60] : memref<16x10240xf32, #tpu.memory_space<vmem_shared>> -> memref<16x640xf32, #tpu.memory_space<vmem_shared>>
      %dma_start3A_155 = arith.constant 0 : i32
      %dma_start3A_156 = tpu.memref_slice %arg10[%dma_start3A_155, %mul3A_60] : memref<16x10240xf32, #tpu.memory_space<vmem_shared>> -> memref<16x640xf32, #tpu.memory_space<vmem_shared>>
      tpu.enqueue_dma source(%dma_start3A_156 : memref<16x640xf32, #tpu.memory_space<vmem_shared>>) target(%arg8 : memref<16x640xf32, #tpu.memory_space<vmem>>) target_semaphore(%run_scoped3A : memref<!tpu.dma_semaphore, #tpu.memory_space<semaphore_mem>>)
      %dma_wait3A_157 = arith.constant 0 : i32
      %dma_wait3A_158 = tpu.memref_slice %arg10[%dma_wait3A_157, %mul3A_60] : memref<16x10240xf32, #tpu.memory_space<vmem_shared>> -> memref<16x640xf32, #tpu.memory_space<vmem_shared>>
      %dma_wait3A_159 = arith.constant 0 : i32
      %dma_wait3A_160 = tpu.memref_slice %arg10[%dma_wait3A_159, %mul3A_60] : memref<16x10240xf32, #tpu.memory_space<vmem_shared>> -> memref<16x640xf32, #tpu.memory_space<vmem_shared>>
      tpu.wait_dma2 semaphore(%run_scoped3A : memref<!tpu.dma_semaphore, #tpu.memory_space<semaphore_mem>>) src(%dma_wait3A_160 : memref<16x640xf32, #tpu.memory_space<vmem_shared>>) dst(%arg8 : memref<16x640xf32, #tpu.memory_space<vmem>>)
      tpu.yield
    }) : () -> ()
    %parallel_loop3A_150 = arith.constant 0 : i32
    %parallel_loop3A_151 = arith.constant 40 : i32
    %parallel_loop3A_152 = arith.constant 1 : i32
    scf.for %parallel_loop3A_153 = %parallel_loop3A_150 to %parallel_loop3A_151 step %parallel_loop3A_152  : i32 {
      %parallel_loop3A_154 = arith.constant 0.000000e+00 : f32
      %parallel_loop3A_155 = vector.broadcast %parallel_loop3A_154 : f32 to vector<16xf32>
      %parallel_loop3A_156 = arith.constant 16 : i32
      %parallel_loop3A_157 = arith.muli %parallel_loop3A_153, %parallel_loop3A_156 : i32
      %parallel_loop3A_158 = arith.constant 0 : i32
      %parallel_loop3A_159 = arith.index_cast %parallel_loop3A_158 : i32 to index
      %parallel_loop3A_160 = arith.index_cast %parallel_loop3A_157 : i32 to index
      %parallel_loop3A_161 = tpu.vector_load %arg8[%parallel_loop3A_159, %parallel_loop3A_160] {strides = array<i32>} : memref<16x640xf32, #tpu.memory_space<vmem>>, vector<16xf32>,
      %parallel_loop3A_162 = arith.addf %parallel_loop3A_155, %parallel_loop3A_161 : vector<16xf32>
      %parallel_loop3A_163 = arith.constant 16 : i32
      %parallel_loop3A_164 = arith.muli %parallel_loop3A_153, %parallel_loop3A_163 : i32
      %parallel_loop3A_165 = arith.constant 1 : i32
      %parallel_loop3A_166 = arith.index_cast %parallel_loop3A_165 : i32 to index
      %parallel_loop3A_167 = arith.index_cast %parallel_loop3A_164 : i32 to index
      %parallel_loop3A_168 = tpu.vector_load %arg8[%parallel_loop3A_166, %parallel_loop3A_167] {strides = array<i32>} : memref<16x640xf32, #tpu.memory_space<vmem>>, vector<16xf32>,
      %parallel_loop3A_169 = arith.addf %parallel_loop3A_162, %parallel_loop3A_168 : vector<16xf32>
      %parallel_loop3A_170 = arith.constant 16 : i32
      %parallel_loop3A_171 = arith.muli %parallel_loop3A_153, %parallel_loop3A_170 : i32
      %parallel_loop3A_172 = arith.constant 2 : i32
      %parallel_loop3A_173 = arith.index_cast %parallel_loop3A_172 : i32 to index
      %parallel_loop3A_174 = arith.index_cast %parallel_loop3A_171 : i32 to index
      %parallel_loop3A_175 = tpu.vector_load %arg8[%parallel_loop3A_173, %parallel_loop3A_174] {strides = array<i32>} : memref<16x640xf32, #tpu.memory_space<vmem>>, vector<16xf32>,
      %parallel_loop3A_176 = arith.addf %parallel_loop3A_169, %parallel_loop3A_175 : vector<16xf32>
      %parallel_loop3A_177 = arith.constant 16 : i32
      %parallel_loop3A_178 = arith.muli %parallel_loop3A_153, %parallel_loop3A_177 : i32
      %parallel_loop3A_179 = arith.constant 3 : i32
      %parallel_loop3A_180 = arith.index_cast %parallel_loop3A_179 : i32 to index
      %parallel_loop3A_181 = arith.index_cast %parallel_loop3A_178 : i32 to index
      %parallel_loop3A_182 = tpu.vector_load %arg8[%parallel_loop3A_180, %parallel_loop3A_181] {strides = array<i32>} : memref<16x640xf32, #tpu.memory_space<vmem>>, vector<16xf32>,
      %parallel_loop3A_183 = arith.addf %parallel_loop3A_176, %parallel_loop3A_182 : vector<16xf32>
      %parallel_loop3A_184 = arith.constant 16 : i32
      %parallel_loop3A_185 = arith.muli %parallel_loop3A_153, %parallel_loop3A_184 : i32
      %parallel_loop3A_186 = arith.constant 4 : i32
      %parallel_loop3A_187 = arith.index_cast %parallel_loop3A_186 : i32 to index
      %parallel_loop3A_188 = arith.index_cast %parallel_loop3A_185 : i32 to index
      %parallel_loop3A_189 = tpu.vector_load %arg8[%parallel_loop3A_187, %parallel_loop3A_188] {strides = array<i32>} : memref<16x640xf32, #tpu.memory_space<vmem>>, vector<16xf32>,
      %parallel_loop3A_190 = arith.addf %parallel_loop3A_183, %parallel_loop3A_189 : vector<16xf32>
      %parallel_loop3A_191 = arith.constant 16 : i32
      %parallel_loop3A_192 = arith.muli %parallel_loop3A_153, %parallel_loop3A_191 : i32
      %parallel_loop3A_193 = arith.constant 5 : i32
      %parallel_loop3A_194 = arith.index_cast %parallel_loop3A_193 : i32 to index
      %parallel_loop3A_195 = arith.index_cast %parallel_loop3A_192 : i32 to index
      %parallel_loop3A_196 = tpu.vector_load %arg8[%parallel_loop3A_194, %parallel_loop3A_195] {strides = array<i32>} : memref<16x640xf32, #tpu.memory_space<vmem>>, vector<16xf32>,
      %parallel_loop3A_197 = arith.addf %parallel_loop3A_190, %parallel_loop3A_196 : vector<16xf32>
      %parallel_loop3A_198 = arith.constant 16 : i32
      %parallel_loop3A_199 = arith.muli %parallel_loop3A_153, %parallel_loop3A_198 : i32
      %parallel_loop3A_200 = arith.constant 6 : i32
      %parallel_loop3A_201 = arith.index_cast %parallel_loop3A_200 : i32 to index
      %parallel_loop3A_202 = arith.index_cast %parallel_loop3A_199 : i32 to index
      %parallel_loop3A_203 = tpu.vector_load %arg8[%parallel_loop3A_201, %parallel_loop3A_202] {strides = array<i32>} : memref<16x640xf32, #tpu.memory_space<vmem>>, vector<16xf32>,
      %parallel_loop3A_204 = arith.addf %parallel_loop3A_197, %parallel_loop3A_203 : vector<16xf32>
      %parallel_loop3A_205 = arith.constant 16 : i32
      %parallel_loop3A_206 = arith.muli %parallel_loop3A_153, %parallel_loop3A_205 : i32
      %parallel_loop3A_207 = arith.constant 7 : i32
      %parallel_loop3A_208 = arith.index_cast %parallel_loop3A_207 : i32 to index
      %parallel_loop3A_209 = arith.index_cast %parallel_loop3A_206 : i32 to index
      %parallel_loop3A_210 = tpu.vector_load %arg8[%parallel_loop3A_208, %parallel_loop3A_209] {strides = array<i32>} : memref<16x640xf32, #tpu.memory_space<vmem>>, vector<16xf32>,
      %parallel_loop3A_211 = arith.addf %parallel_loop3A_204, %parallel_loop3A_210 : vector<16xf32>
      %parallel_loop3A_212 = arith.constant 16 : i32
      %parallel_loop3A_213 = arith.muli %parallel_loop3A_153, %parallel_loop3A_212 : i32
      %parallel_loop3A_214 = arith.constant 8 : i32
      %parallel_loop3A_215 = arith.index_cast %parallel_loop3A_214 : i32 to index
      %parallel_loop3A_216 = arith.index_cast %parallel_loop3A_213 : i32 to index
      %parallel_loop3A_217 = tpu.vector_load %arg8[%parallel_loop3A_215, %parallel_loop3A_216] {strides = array<i32>} : memref<16x640xf32, #tpu.memory_space<vmem>>, vector<16xf32>,
      %parallel_loop3A_218 = arith.addf %parallel_loop3A_211, %parallel_loop3A_217 : vector<16xf32>
      %parallel_loop3A_219 = arith.constant 16 : i32
      %parallel_loop3A_220 = arith.muli %parallel_loop3A_153, %parallel_loop3A_219 : i32
      %parallel_loop3A_221 = arith.constant 9 : i32
      %parallel_loop3A_222 = arith.index_cast %parallel_loop3A_221 : i32 to index
      %parallel_loop3A_223 = arith.index_cast %parallel_loop3A_220 : i32 to index
      %parallel_loop3A_224 = tpu.vector_load %arg8[%parallel_loop3A_222, %parallel_loop3A_223] {strides = array<i32>} : memref<16x640xf32, #tpu.memory_space<vmem>>, vector<16xf32>,
      %parallel_loop3A_225 = arith.addf %parallel_loop3A_218, %parallel_loop3A_224 : vector<16xf32>
      %parallel_loop3A_226 = arith.constant 16 : i32
      %parallel_loop3A_227 = arith.muli %parallel_loop3A_153, %parallel_loop3A_226 : i32
      %parallel_loop3A_228 = arith.constant 10 : i32
      %parallel_loop3A_229 = arith.index_cast %parallel_loop3A_228 : i32 to index
      %parallel_loop3A_230 = arith.index_cast %parallel_loop3A_227 : i32 to index
      %parallel_loop3A_231 = tpu.vector_load %arg8[%parallel_loop3A_229, %parallel_loop3A_230] {strides = array<i32>} : memref<16x640xf32, #tpu.memory_space<vmem>>, vector<16xf32>,
      %parallel_loop3A_232 = arith.addf %parallel_loop3A_225, %parallel_loop3A_231 : vector<16xf32>
      %parallel_loop3A_233 = arith.constant 16 : i32
      %parallel_loop3A_234 = arith.muli %parallel_loop3A_153, %parallel_loop3A_233 : i32
      %parallel_loop3A_235 = arith.constant 11 : i32
      %parallel_loop3A_236 = arith.index_cast %parallel_loop3A_235 : i32 to index
      %parallel_loop3A_237 = arith.index_cast %parallel_loop3A_234 : i32 to index
      %parallel_loop3A_238 = tpu.vector_load %arg8[%parallel_loop3A_236, %parallel_loop3A_237] {strides = array<i32>} : memref<16x640xf32, #tpu.memory_space<vmem>>, vector<16xf32>,
      %parallel_loop3A_239 = arith.addf %parallel_loop3A_232, %parallel_loop3A_238 : vector<16xf32>
      %parallel_loop3A_240 = arith.constant 16 : i32
      %parallel_loop3A_241 = arith.muli %parallel_loop3A_153, %parallel_loop3A_240 : i32
      %parallel_loop3A_242 = arith.constant 12 : i32
      %parallel_loop3A_243 = arith.index_cast %parallel_loop3A_242 : i32 to index
      %parallel_loop3A_244 = arith.index_cast %parallel_loop3A_241 : i32 to index
      %parallel_loop3A_245 = tpu.vector_load %arg8[%parallel_loop3A_243, %parallel_loop3A_244] {strides = array<i32>} : memref<16x640xf32, #tpu.memory_space<vmem>>, vector<16xf32>,
      %parallel_loop3A_246 = arith.addf %parallel_loop3A_239, %parallel_loop3A_245 : vector<16xf32>
      %parallel_loop3A_247 = arith.constant 16 : i32
      %parallel_loop3A_248 = arith.muli %parallel_loop3A_153, %parallel_loop3A_247 : i32
      %parallel_loop3A_249 = arith.constant 13 : i32
      %parallel_loop3A_250 = arith.index_cast %parallel_loop3A_249 : i32 to index
      %parallel_loop3A_251 = arith.index_cast %parallel_loop3A_248 : i32 to index
      %parallel_loop3A_252 = tpu.vector_load %arg8[%parallel_loop3A_250, %parallel_loop3A_251] {strides = array<i32>} : memref<16x640xf32, #tpu.memory_space<vmem>>, vector<16xf32>,
      %parallel_loop3A_253 = arith.addf %parallel_loop3A_246, %parallel_loop3A_252 : vector<16xf32>
      %parallel_loop3A_254 = arith.constant 16 : i32
      %parallel_loop3A_255 = arith.muli %parallel_loop3A_153, %parallel_loop3A_254 : i32
      %parallel_loop3A_256 = arith.constant 14 : i32
      %parallel_loop3A_257 = arith.index_cast %parallel_loop3A_256 : i32 to index
      %parallel_loop3A_258 = arith.index_cast %parallel_loop3A_255 : i32 to index
      %parallel_loop3A_259 = tpu.vector_load %arg8[%parallel_loop3A_257, %parallel_loop3A_258] {strides = array<i32>} : memref<16x640xf32, #tpu.memory_space<vmem>>, vector<16xf32>,
      %parallel_loop3A_260 = arith.addf %parallel_loop3A_253, %parallel_loop3A_259 : vector<16xf32>
      %parallel_loop3A_261 = arith.constant 16 : i32
      %parallel_loop3A_262 = arith.muli %parallel_loop3A_153, %parallel_loop3A_261 : i32
      %parallel_loop3A_263 = arith.constant 15 : i32
      %parallel_loop3A_264 = arith.index_cast %parallel_loop3A_263 : i32 to index
      %parallel_loop3A_265 = arith.index_cast %parallel_loop3A_262 : i32 to index
      %parallel_loop3A_266 = tpu.vector_load %arg8[%parallel_loop3A_264, %parallel_loop3A_265] {strides = array<i32>} : memref<16x640xf32, #tpu.memory_space<vmem>>, vector<16xf32>,
      %parallel_loop3A_267 = arith.addf %parallel_loop3A_260, %parallel_loop3A_266 : vector<16xf32>
      %parallel_loop3A_268 = arith.constant 16 : i32
      %parallel_loop3A_269 = arith.muli %parallel_loop3A_153, %parallel_loop3A_268 : i32
      %parallel_loop3A_270 = arith.index_cast %parallel_loop3A_269 : i32 to index
      %parallel_loop3A_271 = tpu.vector_load %arg9[%parallel_loop3A_270] {strides = array<i32>} : memref<640xf32, #tpu.memory_space<vmem>>, vector<16xf32>,
      tpu.vector_store %arg9[%parallel_loop3A_270], %parallel_loop3A_267 {strides = array<i32>} : memref<640xf32, #tpu.memory_space<vmem>>, vector<16xf32>,
    } {sc.loop_unroll_factor = 2 : i64, sc.parallel_access}
    "tpu.region"() ({
      %run_scoped3A = tpu.sem_alloc : memref<!tpu.dma_semaphore, #tpu.memory_space<semaphore_mem>>
      %dma_start3A_153 = tpu.memref_slice %arg4[%arg0, %mul3A_60] : memref<2x10240xf32, #tpu.memory_space<hbm>> -> memref<1x640xf32, #tpu.memory_space<hbm>>
      %dma_start3A_154 = tpu.memref_squeeze %dma_start3A_153 : memref<1x640xf32, #tpu.memory_space<hbm>> -> memref<640xf32, #tpu.memory_space<hbm>>
      %dma_start3A_155 = tpu.memref_slice %arg4[%arg0, %mul3A_60] : memref<2x10240xf32, #tpu.memory_space<hbm>> -> memref<1x640xf32, #tpu.memory_space<hbm>>
      %dma_start3A_156 = tpu.memref_squeeze %dma_start3A_155 : memref<1x640xf32, #tpu.memory_space<hbm>> -> memref<640xf32, #tpu.memory_space<hbm>>
      tpu.enqueue_dma source(%arg9 : memref<640xf32, #tpu.memory_space<vmem>>) target(%dma_start3A_156 : memref<640xf32, #tpu.memory_space<hbm>>) target_semaphore(%run_scoped3A : memref<!tpu.dma_semaphore, #tpu.memory_space<semaphore_mem>>)
      %dma_wait3A_157 = tpu.memref_slice %arg4[%arg0, %mul3A_60] : memref<2x10240xf32, #tpu.memory_space<hbm>> -> memref<1x640xf32, #tpu.memory_space<hbm>>
      %dma_wait3A_158 = tpu.memref_squeeze %dma_wait3A_157 : memref<1x640xf32, #tpu.memory_space<hbm>> -> memref<640xf32, #tpu.memory_space<hbm>>
      %dma_wait3A_159 = tpu.memref_slice %arg4[%arg0, %mul3A_60] : memref<2x10240xf32, #tpu.memory_space<hbm>> -> memref<1x640xf32, #tpu.memory_space<hbm>>
      %dma_wait3A_160 = tpu.memref_squeeze %dma_wait3A_159 : memref<1x640xf32, #tpu.memory_space<hbm>> -> memref<640xf32, #tpu.memory_space<hbm>>
      tpu.wait_dma2 semaphore(%run_scoped3A : memref<!tpu.dma_semaphore, #tpu.memory_space<semaphore_mem>>) src(%arg9 : memref<640xf32, #tpu.memory_space<vmem>>) dst(%dma_wait3A_160 : memref<640xf32, #tpu.memory_space<hbm>>)
      tpu.yield
    }) : () -> ()
    return
  }
}

module attributes {stable_mosaic.version = 14 : i64} {
  func.func @_tc_body(%arg0: memref<1x10240xf32, #tpu.memory_space<vmem>>, %arg1: memref<2x10240xf32, #tpu.memory_space<vmem>>, %arg2: memref<10000x128xf32, #tpu.memory_space<vmem>>, %arg3: memref<128x128xf32, #tpu.memory_space<vmem>>, %arg4: memref<1x128xf32, #tpu.memory_space<vmem>>, %arg5: memref<128x10xf32, #tpu.memory_space<vmem>>, %arg6: memref<1x10xf32, #tpu.memory_space<vmem>>, %arg7: memref<1x10xf32, #tpu.memory_space<vmem>>) attributes {dimension_semantics = [], scalar_prefetch = 0 : i64, scratch_operands = 0 : i64, tpu.core_type = #tpu.core_type<tc>} {
    %get3A = arith.constant 0 : index
    %get3A_0 = arith.constant 0 : index
    %get3A_1 = vector.load %arg0[%get3A, %get3A_0] : memref<1x10240xf32, #tpu.memory_space<vmem>>, vector<1x10240xf32>
    %get3A_2 = arith.constant 0 : index
    %get3A_3 = arith.constant 0 : index
    %get3A_4 = vector.load %arg1[%get3A_2, %get3A_3] : memref<2x10240xf32, #tpu.memory_space<vmem>>, vector<1x10240xf32>
    %add3A = arith.addf %get3A_1, %get3A_4 : vector<1x10240xf32>
    %get3A_5 = arith.constant 1 : index
    %get3A_6 = arith.constant 0 : index
    %get3A_7 = vector.load %arg1[%get3A_5, %get3A_6] : memref<2x10240xf32, #tpu.memory_space<vmem>>, vector<1x10240xf32>
    %add3A_8 = arith.addf %add3A, %get3A_7 : vector<1x10240xf32>
    %mul3A = arith.mulf %get3A_1, %add3A_8 : vector<1x10240xf32>
    %slice3A = vector.extract_strided_slice %mul3A {offsets = [0, 0], sizes = [1, 10000], strides = [1, 1]} : vector<1x10240xf32> to vector<1x10000xf32>
    %get3A_9 = arith.constant 0 : index
    %get3A_10 = arith.constant 0 : index
    %get3A_11 = vector.load %arg2[%get3A_9, %get3A_10] : memref<10000x128xf32, #tpu.memory_space<vmem>>, vector<10000x128xf32>
    %convert_element_type3A = arith.truncf %get3A_11 : vector<10000x128xf32> to vector<10000x128xbf16>
    %convert_element_type3A_12 = arith.extf %convert_element_type3A : vector<10000x128xbf16> to vector<10000x128xf32>
    %get3A_13 = arith.constant 0 : index
    %get3A_14 = arith.constant 0 : index
    %get3A_15 = vector.load %arg3[%get3A_13, %get3A_14] : memref<128x128xf32, #tpu.memory_space<vmem>>, vector<128x128xf32>
    %convert_element_type3A_16 = arith.truncf %get3A_15 : vector<128x128xf32> to vector<128x128xbf16>
    %convert_element_type3A_17 = arith.extf %convert_element_type3A_16 : vector<128x128xbf16> to vector<128x128xf32>
    %dot_general3A = arith.constant dense<0.000000e+00> : vector<1x128xf32>
    %dot_general3A_18 = tpu.matmul %slice3A, %convert_element_type3A_12, %dot_general3A {dimension_numbers = #tpu.dot_dimension_numbers<[1], [0], [0], [1], [0, 0, 1, 1], [], []>, precision = #tpu.contract_precision<fp32>, transpose_lhs_hint = false} : vector<1x10000xf32>, vector<10000x128xf32>, vector<1x128xf32> -> vector<1x128xf32>
    %dot_general3A_19 = arith.constant dense<0.000000e+00> : vector<1x128xf32>
    %dot_general3A_20 = tpu.matmul %dot_general3A_18, %convert_element_type3A_17, %dot_general3A_19 {dimension_numbers = #tpu.dot_dimension_numbers<[1], [0], [0], [1], [0, 0, 1, 1], [], []>, precision = #tpu.contract_precision<fp32>, transpose_lhs_hint = false} : vector<1x128xf32>, vector<128x128xf32>, vector<1x128xf32> -> vector<1x128xf32>
    %get3A_21 = arith.constant 0 : index
    %get3A_22 = arith.constant 0 : index
    %get3A_23 = vector.load %arg4[%get3A_21, %get3A_22] : memref<1x128xf32, #tpu.memory_space<vmem>>, vector<1x128xf32>
    %mul3A_24 = arith.constant 1.000000e+04 : f32
    %mul3A_25 = vector.broadcast %mul3A_24 : f32 to vector<1x128xf32>
    %mul3A_26 = arith.mulf %mul3A_25, %get3A_23 : vector<1x128xf32>
    %add3A_27 = arith.addf %dot_general3A_20, %mul3A_26 : vector<1x128xf32>
    %get3A_28 = arith.constant 0 : index
    %get3A_29 = arith.constant 0 : index
    %get3A_30 = vector.load %arg5[%get3A_28, %get3A_29] : memref<128x10xf32, #tpu.memory_space<vmem>>, vector<128x10xf32>
    %dot_general3A_31 = arith.constant dense<0.000000e+00> : vector<1x10xf32>
    %dot_general3A_32 = tpu.matmul %add3A_27, %get3A_30, %dot_general3A_31 {dimension_numbers = #tpu.dot_dimension_numbers<[1], [0], [0], [1], [0, 0, 1, 1], [], []>, transpose_lhs_hint = false} : vector<1x128xf32>, vector<128x10xf32>, vector<1x10xf32> -> vector<1x10xf32>
    %get3A_33 = arith.constant 0 : index
    %get3A_34 = arith.constant 0 : index
    %get3A_35 = vector.load %arg6[%get3A_33, %get3A_34] : memref<1x10xf32, #tpu.memory_space<vmem>>, vector<1x10xf32>
    %add3A_36 = arith.addf %dot_general3A_32, %get3A_35 : vector<1x10xf32>
    %logistic3A = arith.negf %add3A_36 : vector<1x10xf32>
    %logistic3A_37 = math.exp %logistic3A : vector<1x10xf32>
    %logistic3A_38 = arith.constant 1.000000e+00 : f32
    %logistic3A_39 = vector.broadcast %logistic3A_38 : f32 to vector<1x10xf32>
    %logistic3A_40 = arith.addf %logistic3A_39, %logistic3A_37 : vector<1x10xf32>
    %logistic3A_41 = arith.divf %logistic3A_39, %logistic3A_40 : vector<1x10xf32>
    %swap3A = arith.constant 0 : index
    %swap3A_42 = arith.constant 0 : index
    %swap3A_43 = vector.load %arg7[%swap3A, %swap3A_42] : memref<1x10xf32, #tpu.memory_space<vmem>>, vector<1x10xf32>
    tpu.vector_store %arg7[%swap3A, %swap3A_42], %logistic3A_41 {strides = array<i32>} : memref<1x10xf32, #tpu.memory_space<vmem>>, vector<1x10xf32>,
    return
  }
}

</mosaic_0001>

<sc_bundles>
// kernel: kernel.4.cloned.1.call-start
scs
__scs_entry_jumppad:
0x0: {  	(pc) =	sbr.rel $0x88, $3  }
0x1: {  	(tag) =	ssettag $0x0;
	lr =	simm.s32 $0x1  }
0x2: {  	[smem:$0x3F9B] =	sst lr;
	_ =	strace $0xD0000000  }
0x3: {  	_ = 	snop  }
0x4: {  	_ = 	snop  }
0x5: {  	_ = 	snop  }
0x6: {  	_ = 	snop  }
0x7: {  	_ = 	snop  }
__scs_overlays_trampoline_lowered:
0x8: {  	[smem:$0x3FAA] =	sst s0  }
0x9: {  	[smem:$0x3FAB] =	sst s1  }
0xa: {  	[smem:$0x3FAC] =	sst s2  }
0xb: {  	[smem:$0x3FAD] =	sst s3  }
0xc: {  	[smem:$0x3FAE] =	sst s4  }
0xd: {  	[smem:$0x3FAF] =	sst s5  }
0xe: {  	[smem:$0x3FB0] =	sst s6  }
0xf: {  	[smem:$0x3FB1] =	sst s7  }
0x10: {  	[smem:$0x3FB2] =	sst s8  }
0x11: {  	[smem:$0x3FB3] =	sst s9;
	s0 =	simm.s32 @!p0 $0x0  }
0x12: {  	s1 =	sld [smem:$0x3F99];
	s0 =	simm.s32 @p0 $0x1  }
0x13: {  	[smem:$0x3FB4] =	sst s0;
	s0 =	simm.s32 @!p1 $0x0  }
0x14: {  	s2 =	sld [smem:$0x3F98];
	s0 =	simm.s32 @p1 $0x1  }
0x15: {  	[smem:$0x3FB5] =	sst s0;
	s0 =	simm.s32 @!p2 $0x0  }
0x16: {  	s3 =	sld [smem:$0x3FDB];
	s0 =	simm.s32 @p2 $0x1  }
0x17: {  	s4 =	simm.s32 $0x1BF5;
	[smem:$0x3FB7] =	sst s0  }
0x18: {  	s0 =	sld [smem:$0x3F9A];
	_ =	swait.ge [sflag:s4], $0x0  }
0x19: {  	s7 =	sld [smem:$0x3F9B]  }
0x1a: {  	s8 =	sadd.s32 $0xFFFFE003, lr  }
0x1b: {  	s9 =	sadd.s32 $0xFFFFFEF7, lr;
	s5 =	simm.s32 $0xFFFFFFFF;
	p2 =	slt.u32 s8, $0xFFFFF086  }
0x1c: {  	p1 =	slt.u32 s9, $0xF7A;
	s5 =	simm.s32 @!p2 $0x0  }
0x1d: {  	s5 =	simm.s32 @p1 $0x1;
	p0 =	seq.s32 s7, s2  }
0x1e: {  	s7 =	smul.u32 @!p0 $0xF7A, s2;
	p2 =	seq.s32 @!p0 s5, $0x0  }
0x1f: {  	s9 =	smul.u32 $0xF7A, s1;
	s8 =	simm.s32 @!p0 $0x1BF5;
	p2 =	por !p2, p0  }
0x20: {  	[sflag:s8] =	ssyncset.s32 @!p0 $0xFFFFF086;
	s6 =	sadd.s32 @!p0 s3, s7;
	s7 =	simm.s32 @!p0 $0x108  }
0x21: {  	s3 =	sadd.s32 s3, s9;
	s6 =	sadd.s32 @!p0 $0x88, s6;
	s7 =	simm.s32 @p2 $0x1082  }
0x22: {  	[simem:s7], [sflag:s8] =	dma.local @!p0 [hbm:s6], $0xF7A  }
0x23: {  	s9 =	sor.u32 $0xD0000000, s2;
	s6 =	simm.s32 $0x108;
	_ =	swait.ge @!p0 [sflag:s8], $0x0  }
0x24: {  	s3 =	sadd.s32 $0x88, s3;
	s6 =	simm.s32 @!p1 $0x1082;
	[sflag:s4] =	ssyncset.s32 $0xFFFFF086  }
0x25: {  	[simem:s6], [sflag:s4] =	dma.local [hbm:s3], $0xF7A  }
0x26: {  	[smem:$0x3F9B] =	sst s1;
	(tag) =	ssettag s2;
	_ =	strace s9  }
0x27: {  	s1 =	sld [smem:$0x3FAB]  }
0x28: {  	s2 =	sld [smem:$0x3FAC]  }
0x29: {  	s4 =	sld [smem:$0x3FAE]  }
0x2a: {  	p0 =	seq.s32 s5, $0x0;
	s5 =	sld [smem:$0x3FAF]  }
0x2b: {  	s6 =	sld [smem:$0x3FB0]  }
0x2c: {  	s7 =	sld [smem:$0x3FB1]  }
0x2d: {  	s3 =	simm.s32 $0x108;
	s8 =	sld [smem:$0x3FB2]  }
0x2e: {  	s3 =	simm.s32 @!p0 $0x1082;
	s9 =	sld [smem:$0x3FB3]  }
0x2f: {  	lr =	sadd.s32 s0, s3;
	s0 =	sld [smem:$0x3FAA]  }
0x30: {  	s3 =	sld [smem:$0x3FAD]  }
0x31: {  	[smem:$0x3FB6] =	sst s10  }
0x32: {  	s10 =	sld [smem:$0x3FB4];
	_ =	sdelay $0x3  }
0x33: {  	p0 =	seq.s32 s10, $0x1;
	s10 =	sld [smem:$0x3FB6];
	_ =	sdelay $0x3  }
0x34: {  	[smem:$0x3FB6] =	sst s10  }
0x35: {  	s10 =	sld [smem:$0x3FB5];
	_ =	sdelay $0x3  }
0x36: {  	p1 =	seq.s32 s10, $0x1;
	s10 =	sld [smem:$0x3FB6];
	_ =	sdelay $0x3  }
0x37: {  	[smem:$0x3FB6] =	sst s10  }
0x38: {  	s10 =	sld [smem:$0x3FB7]  }
0x39: {  	_ = 	snop;
	(pc) =	sbr.ind lr, $3  }
0x3a: {  	_ = 	snop  }
0x3b: {  	_ = 	snop  }
0x3c: {  	p2 =	seq.s32 s10, $0x1;
	s10 =	sld [smem:$0x3FB6]  }
0x3d: {  	_ =	shalt  }
0x3e: {  	_ =	shalt  }
0x3f: {  	_ =	shalt  }
0x40: {  	_ =	shalt  }
0x41: {  	_ =	shalt  }
0x42: {  	_ =	shalt  }
0x43: {  	_ =	shalt  }
0x44: {  	_ =	shalt  }
0x45: {  	_ =	shalt  }
0x46: {  	_ =	shalt  }
0x47: {  	_ =	shalt  }
0x48: {  	_ =	shalt  }
0x49: {  	_ =	shalt  }
0x4a: {  	_ =	shalt  }
0x4b: {  	_ =	shalt  }
0x4c: {  	_ =	shalt  }
0x4d: {  	_ =	shalt  }
0x4e: {  	_ =	shalt  }
0x4f: {  	_ =	shalt  }
0x50: {  	_ =	shalt  }
0x51: {  	_ =	shalt  }
0x52: {  	_ =	shalt  }
0x53: {  	_ =	shalt  }
0x54: {  	_ =	shalt  }
0x55: {  	_ =	shalt  }
0x56: {  	_ =	shalt  }
0x57: {  	_ =	shalt  }
0x58: {  	_ =	shalt  }
0x59: {  	_ =	shalt  }
0x5a: {  	_ =	shalt  }
0x5b: {  	_ =	shalt  }
0x5c: {  	_ =	shalt  }
0x5d: {  	_ =	shalt  }
0x5e: {  	_ =	shalt  }
0x5f: {  	_ =	shalt  }
0x60: {  	_ =	shalt  }
0x61: {  	_ =	shalt  }
0x62: {  	_ =	shalt  }
0x63: {  	_ =	shalt  }
0x64: {  	_ =	shalt  }
0x65: {  	_ =	shalt  }
0x66: {  	_ =	shalt  }
0x67: {  	_ =	shalt  }
0x68: {  	_ =	shalt  }
0x69: {  	_ =	shalt  }
0x6a: {  	_ =	shalt  }
0x6b: {  	_ =	shalt  }
0x6c: {  	_ =	shalt  }
0x6d: {  	_ =	shalt  }
0x6e: {  	_ =	shalt  }
0x6f: {  	_ =	shalt  }
0x70: {  	_ =	shalt  }
0x71: {  	_ =	shalt  }
0x72: {  	_ =	shalt  }
0x73: {  	_ =	shalt  }
0x74: {  	_ =	shalt  }
0x75: {  	_ =	shalt  }
0x76: {  	_ =	shalt  }
0x77: {  	_ =	shalt  }
0x78: {  	_ =	shalt  }
0x79: {  	_ =	shalt  }
0x7a: {  	_ =	shalt  }
0x7b: {  	_ =	shalt  }
0x7c: {  	_ =	shalt  }
0x7d: {  	_ =	shalt  }
0x7e: {  	_ =	shalt  }
0x7f: {  	_ =	shalt  }
0x80: {  	_ =	shalt  }
0x81: {  	_ =	shalt  }
0x82: {  	_ =	shalt  }
0x83: {  	_ =	shalt  }
0x84: {  	_ =	shalt  }
0x85: {  	_ =	shalt  }
0x86: {  	_ =	shalt  }
0x87: {  	_ =	shalt  }
.Lfunc_end0:
.L_simem_size_0:
called_computation_lowered:
.L_overlay_start_0:
0x88: {  	s2 =	sld [smem:$0x3FD9]  }
0x89: {  	s3 =	sld [smem:$0x3FFE];
	_ =	sdelay $0x1  }
0x8a: {  	s1 =	srdreg.scid  }
0x8b: {  	s0 =	sand.u32 $0x1, s1  }
0x8c: {  	s17 =	sshll.u32 s0, $0xA;
	s2 =	sadd.s32 s3, s2  }
0x8d: {  	s2 =	sadd.s32 s2, s17  }
0x8e: {  	[smem:$0x3FC2] =	sst s2  }
0x8f: {  	_ = 	snop  }
0x90: {  	s2 =	sld [smem:$0x3FC8];
	(tm) =	ssettm $0x1  }
0x91: {  	s18 =	sld [smem:$0x3FFB];
	_ =	sdelay $0x3  }
0x92: {  	_ =	strace s18  }
0x93: {  	s3 =	sld [smem:$0x3FFC];
	_ =	sdelay $0x3  }
0x94: {  	_ =	strace s3  }
0x95: {  	s3 =	sld [smem:$0x3FFD];
	_ =	sdelay $0x3  }
0x96: {  	_ =	strace s3  }
0x97: {  	_ =	strace $0x8FFFFFFF  }
0x98: {  	s19 =	sld [smem:$0x3FDB];
	_ =	sdelay $0x1  }
0x99: {  	s4 =	simm.s32 $_scs_section_size  }
0x9a: {  	s5 =	simm.s32 $_size__tile_overlayer_lowered;
	s6 =	simm.s32 $_tile_overlayer_lowered  }
0x9b: {  	s22 =	simm.s32 $0x1BFF;
	s21 =	sshll.u32 s6, $0x1;
	s3 =	sadd.s32 s4, s19  }
0x9c: {  	s7 =	simm.s32 $0x0;
	s20 =	sshll.u32 s5, $0x1;
	s5 =	sadd.s32 s21, s3  }
0x9d: {  	[timem:s7], [sflag:s22] =	dma.local [hbm:s5], s20  }
0x9e: {  	_ =	swait.ge [sflag:s22], s20  }
0x9f: {  	s4 =	ssub.s32 $0x0, s20;
	[sflag:s22] =	ssyncset.done $0x0  }
0xa0: {  	[sflag:s22] =	ssyncadd.s32 s4;
	_ =	sdelay $0x1  }
0xa1: {  	s23 =	simm.s32 $0x1B8B  }
0xa2: {  	_ =	swait.ge [sflag:s23], $0x1  }
0xa3: {  	[sflag:s23] =	ssyncset.done $0x0  }
0xa4: {  	s25 =	simm.s32 $0x1B8E;
	s24 =	sld [smem:$0x3FFE];
	[sflag:s23] =	ssyncadd.s32 $0xFFFFFFFF  }
0xa5: {  	s26 =	simm.s32 $execute0_lowered;
	[smem:$0x3FD2] =	sst s25  }
0xa6: {  	s5 =	sshll.u32 s26, $0x1;
	_ =	strace $0x80000046;
	[dreg:$0x1] =	wrdreg $0xFFFFFFFF  }
0xa7: {  	s28 =	simm.s32 $_size_execute0_lowered;
	s3 =	sadd.s32 s3, s5;
	[dreg:$0x0] =	wrdreg $0x0  }
0xa8: {  	s5 =	sshll.u32 s28, $0x1;
	[dreg:$0x2] =	wrdreg s3  }
0xa9: {  	[dreg:$0x3] =	wrdreg s5  }
0xaa: {  	[dreg:$0x4] =	wrdreg $0xC0  }
0xab: {  	_ =	task [dreg:s7], $0x5FFFF  }
0xac: {  	[dreg:$0x1] =	wrdreg $0xFFFFFFFF  }
0xad: {  	[dreg:$0x0] =	wrdreg $0x60  }
0xae: {  	[dreg:$0x2] =	wrdreg s2  }
0xaf: {  	[dreg:$0x3] =	wrdreg s24  }
0xb0: {  	[dreg:$0x4] =	wrdreg $0x117800  }
0xb1: {  	[dreg:$0x5] =	wrdreg $0x13F800  }
0xb2: {  	[dreg:$0x6] =	wrdreg $0x9  }
0xb3: {  	_ =	task.clear_ibuf [dreg:s7], $0x7FFFF;
	_ =	strace $0x90000046  }
0xb4: {  	s29 =	simm.s32 $0x9;
	_ =	strace $0x80000048  }
0xb5: {  	_ =	swait.ge [sflag:s29], $0x1  }
0xb6: {  	[sflag:s29] =	ssyncadd.s32 $0xFFFFFFFF  }
0xb7: {  	_ =	strace $0x90000048  }
0xb8: {  	_ =	sfence  }
0xb9: {  	s30 =	sld [smem:$0x0];
	_ =	sdelay $0x2  }
0xba: {  	s31 =	sshll.u32 s1, $0xD;
	s1 =	sshrl.u32 s1, $0x2  }
0xbb: {  	s3 =	sand.u32 $0x4000, s31;
	s1 =	sadd.s32 s1, s30  }
0xbc: {  	s0 =	sor.u32 s3, s0;
	s1 =	sshll.u32 s1, $0x11  }
0xbd: {  	s0 =	sor.u32 s1, s0  }
0xbe: {  	s0 =	sadd.s32 $0x8F2B, s0  }
0xbf: {  	[sflag:s0] =	ssyncadd.remote.s32 $0x1  }
0xc0: {  	_ =	sfence.sel $0xFFFF  }
0xc1: {  	[dreg:$0x0] =	wrdreg $0xFFFFFFFF;
	(pc) =	sbr.abs _section_cstart, $3  }
0xc2: {  	[dreg:$0x1] =	wrdreg $0xFFFFFFFF  }
0xc3: {  	_ =	task.clear_ibuf [dreg:s7], $0x2FFFF;
	_ =	strace $0x9FFFFFFF  }
0xc4: {  	(tm) =	ssettm $0x7FFFFFFF  }
0xc5: {  	_ =	shalt  }
tec
execute0_lowered:
.L_overlay_start_1:
0x0: {  	(tag) =	ssettag $0x1  }
0x1: {  	s6 =	rddreg [dreg:$0x0]  }
0x2: {  	s2 =	rddreg [dreg:$0x1]  }
0x3: {  	s7 =	rddreg [dreg:$0x2]  }
0x4: {  	s20 =	rddreg [dreg:$0x3];
	s16 =	stileid.u32  }
0x5: {  	s8 =	simm.s32 $0x0;
	s0 =	srdreg.scid;
	s9 =	simm.s32 $0x2440  }
0x6: {  	s3 =	simm.s32 $0x600;
	s29 =	simm.s32 $0x1400;
	s31 =	simm.s32 $0x14000  }
0x7: {  	s28 =	simm.s32 $0xC500;
	s30 =	simm.s32 $0x0;
	s1 =	smul.u32 $0x280, s16  }
0x8: {  	p0 =	seq.s32 s16, $0xF;
	s0 =	sand.u32 $0x1, s0;
	s4 =	smul.u32 $0x500, s16  }
0x9: {  	[smem:$0x7FF] =	sst s8;
	s13 =	smul.u32 $0x13A0, s16;
	s25 =	sshrl.u32 s16, $0x3  }
0xa: {  	s26 =	sshll.u32 s16, $0x7;
	s18 =	smul.u32 $0x5000, s16;
	s9 =	simm.s32 @!p0 $0x2740  }
0xb: {  	s5 =	sshll.u32 s0, $0x7;
	s3 =	simm.s32 @!p0 $0x0;
	s8 =	smul.u32 $0x50000, s25  }
0xc: {  	s24 =	ssub.s32 $0x2, s0;
	s11 =	smul.u32 s0, s9;
	s4 =	sor.u32 s5, s4  }
0xd: {  	s21 =	sshrl.u32 s1, $0x3;
	s10 =	sshrl.u32 s24, $0x1;
	s13 =	simm.s32 @p0 $0x124E0  }
0xe: {  	s19 =	sshrl.u32 s18, $0x2;
	s1 =	sadd.s32 s1, s20;
	p0 =	sne.s32 s0, $0x0  }
0xf: {  	s4 =	sshrl.u32 s4, $0x3;
	s5 =	sadd.s32 s21, s2;
	s10 =	ssub.s32 s24, s10  }
0x10: {  	s6 =	sadd.s32 s6, s13;
	s8 =	sshrl.u32 s8, $0x2;
	s12 =	sadd.s32 s3, s11  }
0x11: {  	s4 =	sadd.s32 s4, s2;
	[dreg:$0x6] =	wrdreg s6;
	s6 =	sand.u32 $0x380, s26  }
0x12: {  	s8 =	sadd.s32 s8, s7;
	s7 =	sadd.s32 s19, s7;
	s19 =	sshll.u32 s3, $0x1  }
0x13: {  	s11 =	sshll.u32 s11, $0x2;
	s5 =	sadd.s32 $0x2000, s5;
	s22 =	sadd.s32 s9, s12  }
0x14: {  	s23 =	sshrl.u32 s12, $0x4;
	s6 =	sadd.s32 s6, s8;
	s21 =	sadd.s32 $0x40, s12  }
0x15: {  	s24 =	sadd.s32 $0x50, s12;
	s26 =	sadd.s32 $0x60, s12;
	s2 =	sshrl.u32 s22, $0x4  }
0x16: {  	_ =	strace $0x80000047;
	[dreg:$0x7] =	wrdreg s1;
	s14 =	ssub.s32 s2, s23  }
0x17: {  	s11 =	sand.u32 $0x100, s11;
	[dreg:$0x8] =	wrdreg s5;
	s15 =	sshrl.u32 s14, $0x1C  }
0x18: {  	s22 =	sshll.u32 s21, $0x3;
	s16 =	sshll.u32 s24, $0x2;
	s15 =	sand.u32 $0x7, s15  }
0x19: {  	s18 =	sshll.u32 s26, $0x3;
	[dreg:$0x5] =	wrdreg s23;
	s17 =	sadd.s32 s15, s14  }
0x1a: {  	s16 =	sand.u32 $0x140, s16;
	s18 =	sand.u32 $0x7FC00, s18;
	s13 =	sand.u32 $0xFFF8, s17  }
0x1b: {  	s15 =	sand.u32 $0x7FC00, s22;
	s17 =	sshll.u32 s24, $0x3;
	s13 =	ssub.s32 s14, s13  }
0x1c: {  	s25 =	sand.u32 $0x7FC00, s17;
	s17 =	sshll.u32 s26, $0x2;
	s13 =	sshll.u32 s13, $0x10  }
0x1d: {  	s24 =	sadd.s32 $0x1, s0;
	s17 =	sand.u32 $0x180, s17;
	s8 =	sshra.s32 s13, $0x10  }
0x1e: {  	s13 =	sshll.u32 s21, $0x2;
	s21 =	sor.u32 s16, s25;
	s22 =	sor.u32 s17, s18  }
0x1f: {  	s18 =	sshll.u32 s12, $0x3;
	s12 =	sadd.s32 $0x70, s12;
	s16 =	smul.u32 s24, s9  }
0x20: {  	s13 =	sand.u32 $0x100, s13;
	s11 =	sor.u32 s11, s18;
	s25 =	sshll.u32 s12, $0x3  }
0x21: {  	s12 =	sshll.u32 s12, $0x2;
	s17 =	sshll.u32 s8, $0x5;
	s24 =	sshll.u32 s8, $0x4  }
0x22: {  	s15 =	sor.u32 s13, s15;
	s9 =	sand.u32 $0x7FC00, s25;
	s12 =	sand.u32 $0x1C0, s12  }
0x23: {  	s26 =	sshll.u32 s16, $0x1;
	s20 =	sadd.s32 s16, s3;
	s25 =	ssub.s32 s14, s8  }
0x24: {  	s18 =	sor.u32 s12, s9;
	s13 =	sadd.s32 s19, s26;
	s12 =	ssub.s32 s20, s24  }
0x25: {  	s26 =	sadd.s32 $0x1600, s4;
	s9 =	ssub.s32 s13, s17;
	s17 =	sshrl.u32 s3, $0x4  }
0x26: {  	s3 =	smax.u32 s10, $0x1;
	s10 =	sor.u32 $0x200, s11;
	s11 =	sor.u32 $0x200, s18  }
0x27: {  	p1 =	slt.s32 s25, $0x1;
	s13 =	sadd.s32 s23, s25;
	s25 =	sshrl.u32 s11, $0x2  }
0x28: {  	s20 =	simm.s32 $0x80;
	s16 =	sshrl.u32 s15, $0x2;
	s14 =	sshrl.u32 s10, $0x2;
	v4 =	vmov s25  }
0x29: {  	s24 =	sshrl.u32 s22, $0x2;
	s22 =	simm.s32 $0x2;
	[dreg:$0x9] =	wrdreg s26;
	v0 =	vmov s14  }
0x2a: {  	s18 =	simm.s32 $0x1;
	s23 =	sshrl.u32 s21, $0x2;
	s26 =	simm.s32 $0x400  }
0x2b: {  	v5 =	vimm.f32 $0.0e+00;
	v6 =	vimm.f32 $1.000000000e+00;
	[dreg:$0xa] =	wrdreg s3;
	s4 =	sadd.s32 $0xFFFFFFF8, s17;
	s17 =	sor.u32 $0xF0, s19  }
0x2c: {  	v1 =	vmov s16;
	v3 =	vmov s24;
	s19 =	simm.s32 $0x9D00;
	p2 =	sge.s32 s13, s2;
	v2 =	vmov s23;
	[dreg:$0xb] =	wrdreg s4  }
.LBB2_1:
0x2d: {  	s0 =	simm.s32 $0x0;
	s1 =	rddreg [dreg:$0x6]  }
0x2e: {  	[tilespmem:s0], [sflag:$0x1] =	stream.linear.gather [hbm4b:s1+s0], $0x9D00, $0x38;
	[tilespmem:$0x14200] =	vst v63  }
0x2f: {  	s0 =	simm.s32 $0x9D20  }
0x30: {  	[tilespmem:s0+$0xFFFFFFE0] =	vst v5  }
0x31: {  	[tilespmem:s0+$0x10] =	vst v5  }
0x32: {  	s1 =	simm.s32 $0x0;
	[tilespmem:s0+$0x0] =	vst v5  }
.LBB2_2:
0x33: {  	s1 =	sadd.s32 $0x4, s1  }
0x34: {  	[tilespmem:s0+$0xFFFFFFF0] =	vst v5;
	s0 =	sadd.s32 $0x40, s0;
	p3 =	slt.u32 s1, $0x27C  }
.Ltmp0:
0x35: {  	[tilespmem:s0+$0xFFFFFFE0] =	vst v5;
	(pc) =	sbr.rel @p3 .LBB2_2-.Ltmp0, $3  }
0x36: {  	_ =	sdelay $0x1  }
0x37: {  	[tilespmem:s0+$0x10] =	vst v5  }
0x38: {  	[tilespmem:s0+$0x0] =	vst v5  }
0x39: {  	[tilespmem:s0+$0xFFFFFFF0] =	vst v5  }
0x3a: {  	_ =	swait.ge [sflag:s18], $0x9D00  }
0x3b: {  	[sflag:s18] =	ssyncset.done $0x0  }
0x3c: {  	[sflag:s18] =	ssyncadd.s32 $0xFFFF6300  }
0x3d: {  	v8 =	vld [tilespmem:s17+$0xFFFFFF90]  }
0x3e: {  	v9 =	vld [tilespmem:s17+$0x0]  }
0x3f: {  	v10 =	vld [tilespmem:s17+$0xFFFFFFF0]  }
0x40: {  	v11 =	vld [tilespmem:s17+$0xFFFFFFE0];
	_ =	sdelay $0x1  }
0x41: {  	v12 =	vld [tilespmem:s17+$0xFFFFFFD0]  }
0x42: {  	v13 =	vld [tilespmem:s17+$0xFFFFFFC0]  }
0x43: {  	v14 =	vld [tilespmem:s17+$0xFFFFFFB0]  }
0x44: {  	[tilespmem:v8+s19+$0x0] =	vst.idx.add.f32.msk $0xffff, v6  }
0x45: {  	[tilespmem:v9+s19+$0x0] =	vst.idx.add.f32.msk $0xffff, v6  }
0x46: {  	[tilespmem:v10+s19+$0x0] =	vst.idx.add.f32.msk $0xffff, v6  }
0x47: {  	[tilespmem:v11+s19+$0x0] =	vst.idx.add.f32.msk $0xffff, v6  }
0x48: {  	v7 =	vld [tilespmem:s17+$0xFFFFFFA0];
	s25 =	rddreg [dreg:$0xb]  }
0x49: {  	s0 =	sadd.s32 $0x8, s25  }
0x4a: {  	p3 =	slt.u32 s0, $0x4E0  }
.Ltmp1:
0x4b: {  	_ = 	snop;
	(pc) =	sbr.rel @!p3 .LBB2_5-.Ltmp1, $4  }
0x4c: {  	_ = 	snop  }
0x4d: {  	[tilespmem:v12+s19+$0x0] =	vst.idx.add.f32.msk $0xffff, v6  }
0x4e: {  	[tilespmem:v13+s19+$0x0] =	vst.idx.add.f32.msk $0xffff, v6  }
0x4f: {  	s1 =	smov.u32 s17;
	[tilespmem:v14+s19+$0x0] =	vst.idx.add.f32.msk $0xffff, v6  }
.LBB2_4:
0x50: {  	s0 =	sadd.s32 $0x8, s0;
	[tilespmem:v7+s19+$0x0] =	vst.idx.add.f32.msk $0xffff, v6;
	s1 =	sadd.s32 $0x100, s1  }
0x51: {  	v8 =	vld [tilespmem:s1+$0xFFFFFF90];
	p3 =	slt.u32 s0, $0x4E0  }
0x52: {  	v9 =	vld [tilespmem:s1+$0x0]  }
0x53: {  	v10 =	vld [tilespmem:s1+$0xFFFFFFF0]  }
0x54: {  	v11 =	vld [tilespmem:s1+$0xFFFFFFE0]  }
0x55: {  	v12 =	vld [tilespmem:s1+$0xFFFFFFD0]  }
0x56: {  	v13 =	vld [tilespmem:s1+$0xFFFFFFC0]  }
0x57: {  	v14 =	vld [tilespmem:s1+$0xFFFFFFB0]  }
0x58: {  	v7 =	vld [tilespmem:s1+$0xFFFFFFA0]  }
0x59: {  	[tilespmem:v8+s19+$0x0] =	vst.idx.add.f32.msk $0xffff, v6  }
0x5a: {  	[tilespmem:v9+s19+$0x0] =	vst.idx.add.f32.msk $0xffff, v6  }
.Ltmp2:
0x5b: {  	[tilespmem:v10+s19+$0x0] =	vst.idx.add.f32.msk $0xffff, v6;
	(pc) =	sbr.rel @p3 .LBB2_4-.Ltmp2, $4  }
0x5c: {  	[tilespmem:v11+s19+$0x0] =	vst.idx.add.f32.msk $0xffff, v6  }
0x5d: {  	[tilespmem:v12+s19+$0x0] =	vst.idx.add.f32.msk $0xffff, v6  }
0x5e: {  	[tilespmem:v13+s19+$0x0] =	vst.idx.add.f32.msk $0xffff, v6  }
0x5f: {  	[tilespmem:v14+s19+$0x0] =	vst.idx.add.f32.msk $0xffff, v6  }
.LBB2_5:
0x60: {  	_ =	sdelay $0x3  }
0x61: {  	[tilespmem:v7+s19+$0x0] =	vst.idx.add.f32.msk $0xffff, v6  }
0x62: {  	[spmem:s6] =	stream.strided.scatter [tilespmem:s19], [sflag:$0x2], $0x2800, s26, s20, $0x38;
	[tilespmem:$0x14200] =	vst v63  }
0x63: {  	_ =	swait.ge [sflag:s22], $0x2800  }
0x64: {  	[sflag:s22] =	ssyncset.done $0x0  }
0x65: {  	[sflag:s22] =	ssyncadd.s32 $0xFFFFD800  }
0x66: {  	s0 =	simm.s32 $0xED00;
	[bflag:$0x0] =	sbarrier.arrive $0xFFFF  }
0x67: {  	[tilespmem:s0], [sflag:$0x2] =	stream.strided.gather [spmem:s7], $0x2800, s31, s29, $0x38;
	[tilespmem:$0x14200] =	vst v63  }
0x68: {  	_ =	swait.ge [sflag:s22], $0x2800  }
0x69: {  	[sflag:s22] =	ssyncset.done $0x0  }
0x6a: {  	s1 =	simm.s32 $0x9D20;
	[sflag:s22] =	ssyncadd.s32 $0xFFFFD800  }
0x6b: {  	[tilespmem:s1+$0xFFFFFFE0] =	vst v5  }
0x6c: {  	[tilespmem:s1+$0x10] =	vst v5  }
0x6d: {  	s0 =	simm.s32 $0x0;
	[tilespmem:s1+$0x0] =	vst v5  }
.LBB2_6:
0x6e: {  	s0 =	sadd.s32 $0x4, s0  }
0x6f: {  	[tilespmem:s1+$0xFFFFFFF0] =	vst v5;
	s1 =	sadd.s32 $0x40, s1;
	p3 =	slt.u32 s0, $0x27C  }
.Ltmp3:
0x70: {  	[tilespmem:s1+$0xFFFFFFE0] =	vst v5;
	(pc) =	sbr.rel @p3 .LBB2_6-.Ltmp3, $3  }
0x71: {  	_ =	sdelay $0x1  }
0x72: {  	[tilespmem:s1+$0x10] =	vst v5  }
0x73: {  	s2 =	simm.s32 $0x0;
	s31 =	simm.s32 $0x11500;
	[tilespmem:s1+$0x0] =	vst v5  }
0x74: {  	s0 =	sand.u32 $0x60, s2;
	s5 =	sand.u32 $0x1C00, s2  }
0x75: {  	s4 =	sadd.s32 $0xED00, s5;
	s3 =	sor.u32 $0x10, s0  }
0x76: {  	[tilespmem:s1+$0xFFFFFFF0] =	vst v5;
	s26 =	sor.u32 s3, s4  }
0x77: {  	s4 =	sor.u32 s0, s4;
	v7 =	vld [tilespmem:s26+$0x0]  }
0x78: {  	v11 =	vld [tilespmem:s4+$0x0]  }
0x79: {  	v14 =	vld [tilespmem:s26+$0x80]  }
0x7a: {  	v18 =	vld [tilespmem:s4+$0x80]  }
0x7b: {  	v19 =	vld [tilespmem:s26+$0x100]  }
0x7c: {  	v20 =	vld [tilespmem:s4+$0x100]  }
0x7d: {  	v21 =	vld [tilespmem:s26+$0x180]  }
0x7e: {  	v22 =	vld [tilespmem:s4+$0x180]  }
0x7f: {  	v23 =	vld [tilespmem:s26+$0x200]  }
0x80: {  	v24 =	vld [tilespmem:s4+$0x200]  }
0x81: {  	v25 =	vld [tilespmem:s26+$0x280]  }
0x82: {  	v26 =	vld [tilespmem:s4+$0x280]  }
0x83: {  	v27 =	vld [tilespmem:s26+$0x300]  }
0x84: {  	v17 =	vld [tilespmem:s4+$0x300]  }
0x85: {  	s10 =	sor.u32 $0x10100, s5;
	v28 =	vld [tilespmem:s26+$0x380]  }
0x86: {  	s11 =	sor.u32 s3, s10;
	v16 =	vld [tilespmem:s4+$0x380]  }
0x87: {  	s15 =	sor.u32 $0x10180, s5;
	s14 =	sor.u32 s0, s10;
	v29 =	vld [tilespmem:s11+$0x0]  }
0x88: {  	s16 =	sor.u32 s3, s15;
	v15 =	vld [tilespmem:s14+$0x0]  }
0x89: {  	s23 =	sor.u32 $0x10200, s5;
	s21 =	sor.u32 s0, s15;
	v30 =	vld [tilespmem:s16+$0x0]  }
0x8a: {  	s24 =	sor.u32 s3, s23;
	v13 =	vld [tilespmem:s21+$0x0]  }
0x8b: {  	s25 =	sor.u32 s0, s23;
	s15 =	sor.u32 $0x10300, s5;
	v31 =	vld [tilespmem:s24+$0x0]  }
0x8c: {  	v12 =	vld [tilespmem:s25+$0x0];
	s16 =	sor.u32 s3, s15  }
0x8d: {  	s23 =	sor.u32 $0x10380, s5;
	s21 =	sor.u32 s0, s15;
	v33 =	vld [tilespmem:s16+$0x0]  }
0x8e: {  	s25 =	sor.u32 s3, s23;
	v9 =	vld [tilespmem:s21+$0x0]  }
0x8f: {  	s26 =	sor.u32 $0x10280, s5;
	s24 =	sor.u32 s0, s23;
	v34 =	vld [tilespmem:s25+$0x0]  }
0x90: {  	s10 =	sadd.s32 $0x10400, s5;
	s4 =	simm.s32 $0x20;
	s11 =	sor.u32 s3, s26;
	v8 =	vld [tilespmem:s24+$0x0]  }
0x91: {  	s15 =	sadd.s32 $0x10480, s5;
	s14 =	sor.u32 s0, s26;
	v32 =	vld [tilespmem:s11+$0x0];
	s11 =	simm.s32 $0x100  }
0x92: {  	s21 =	sor.u32 s3, s10;
	s29 =	sand.u32 $0x60, s4;
	v10 =	vld [tilespmem:s14+$0x0];
	s14 =	sand.u32 $0x1C00, s11  }
0x93: {  	s16 =	sor.u32 s3, s15;
	v35 =	vld [tilespmem:s21+$0x0];
	s5 =	sor.u32 $0x10, s29;
	s26 =	sadd.s32 $0xED00, s14  }
0x94: {  	v36 =	vld [tilespmem:s16+$0x0];
	s21 =	sor.u32 s5, s26  }
0x95: {  	s1 =	sor.u32 s29, s26;
	v37 =	vld [tilespmem:s21+$0x0]  }
0x96: {  	v38 =	vld [tilespmem:s1+$0x0]  }
0x97: {  	v39 =	vld [tilespmem:s21+$0x80]  }
0x98: {  	v40 =	vld [tilespmem:s1+$0x80]  }
0x99: {  	v7 =	vadd.f32 $1.000000000e+00, v7;
	v41 =	vld [tilespmem:s21+$0x100]  }
0x9a: {  	v42 =	vld [tilespmem:s1+$0x100]  }
0x9b: {  	v43 =	vld [tilespmem:s21+$0x180];
	v7 =	vadd.f32 v14, v7  }
0x9c: {  	v44 =	vld [tilespmem:s1+$0x180]  }
0x9d: {  	v45 =	vld [tilespmem:s1+$0x200];
	v7 =	vadd.f32 v19, v7  }
0x9e: {  	v62 =	vld [tilespmem:s21+$0x280]  }
0x9f: {  	v46 =	vld [tilespmem:s1+$0x280];
	v7 =	vadd.f32 v21, v7  }
0xa0: {  	v63 =	vld [tilespmem:s21+$0x300]  }
0xa1: {  	s23 =	sor.u32 $0x10100, s14;
	v47 =	vld [tilespmem:s1+$0x300];
	v7 =	vadd.f32 v23, v7  }
0xa2: {  	s24 =	sor.u32 s5, s23;
	s25 =	sor.u32 s29, s23;
	s23 =	sor.u32 $0x10200, s14;
	v11 =	vadd.f32 $1.000000000e+00, v11;
	v48 =	vld [tilespmem:s1+$0x380]  }
0xa3: {  	v49 =	vld [tilespmem:s25+$0x0];
	s25 =	sor.u32 s29, s23;
	v7 =	vadd.f32 v25, v7  }
0xa4: {  	v11 =	vadd.f32 v18, v11;
	v18 =	vld [tilespmem:s25+$0x0]  }
0xa5: {  	s26 =	sor.u32 $0x10180, s14;
	v19 =	vld [tilespmem:s21+$0x200];
	v7 =	vadd.f32 v27, v7  }
0xa6: {  	v11 =	vadd.f32 v20, v11;
	v20 =	vadd.f32 $1.000000000e+00, v37;
	v25 =	vld [tilespmem:s21+$0x380];
	s21 =	sor.u32 s29, s26  }
0xa7: {  	s16 =	sor.u32 s5, s26;
	s26 =	sor.u32 $0x10280, s14;
	v50 =	vld [tilespmem:s21+$0x0];
	v7 =	vadd.f32 v28, v7  }
0xa8: {  	v20 =	vadd.f32 v39, v20;
	s21 =	sor.u32 s29, s26;
	v27 =	vld [tilespmem:s24+$0x0]  }
0xa9: {  	s24 =	sor.u32 s5, s23;
	v14 =	vld [tilespmem:s21+$0x0];
	v7 =	vadd.f32 v29, v7  }
0xaa: {  	v20 =	vadd.f32 v41, v20;
	s23 =	sor.u32 $0x10300, s14;
	v51 =	vld [tilespmem:s24+$0x0]  }
0xab: {  	s24 =	sor.u32 s5, s23;
	v28 =	vld [tilespmem:s16+$0x0];
	v7 =	vadd.f32 v30, v7  }
0xac: {  	v22 =	vadd.f32 v22, v11;
	v20 =	vadd.f32 v43, v20;
	s25 =	sor.u32 s29, s23;
	v53 =	vld [tilespmem:s24+$0x0]  }
0xad: {  	s15 =	sor.u32 s0, s15;
	v11 =	vld [tilespmem:s25+$0x0];
	v7 =	vadd.f32 v31, v7  }
0xae: {  	v22 =	vadd.f32 v24, v22;
	s16 =	sor.u32 s5, s26;
	v19 =	vadd.f32 v19, v20;
	v20 =	vld [tilespmem:s15+$0x0]  }
0xaf: {  	s26 =	sor.u32 $0x10380, s14;
	s24 =	sor.u32 s0, s10;
	v52 =	vld [tilespmem:s16+$0x0];
	v32 =	vadd.f32 v32, v7  }
0xb0: {  	s11 =	simm.s32 $0x40;
	v22 =	vadd.f32 v26, v22;
	s16 =	sor.u32 s5, s26;
	v26 =	vld [tilespmem:s24+$0x0]  }
0xb1: {  	s1 =	sadd.s32 $0x10400, s14;
	s25 =	simm.s32 $0x200;
	s21 =	sor.u32 s29, s26;
	v54 =	vld [tilespmem:s16+$0x0];
	v55 =	vadd.f32 v33, v32  }
0xb2: {  	v17 =	vadd.f32 v17, v22;
	s23 =	sor.u32 s5, s1;
	s14 =	sadd.s32 $0x10480, s14;
	s10 =	sand.u32 $0x1C00, s25;
	v7 =	vld [tilespmem:s21+$0x0]  }
0xb3: {  	s26 =	sor.u32 s5, s14;
	s16 =	sadd.s32 $0xED00, s10;
	v32 =	vld [tilespmem:s23+$0x0];
	s23 =	sand.u32 $0x60, s11;
	v24 =	vadd.f32 v34, v55  }
0xb4: {  	v16 =	vadd.f32 v16, v17;
	v17 =	vadd.f32 v62, v19;
	v33 =	vld [tilespmem:s26+$0x0];
	s26 =	sor.u32 s23, s16  }
0xb5: {  	v57 =	vadd.f32 $1.000000000e+00, v38;
	s0 =	sor.u32 $0x10, s23;
	v19 =	vld [tilespmem:s26+$0x0];
	v56 =	vadd.f32 v35, v24  }
0xb6: {  	v15 =	vadd.f32 v15, v16;
	v16 =	vadd.f32 v63, v17;
	s25 =	sor.u32 s0, s16;
	v17 =	vld [tilespmem:s26+$0x80]  }
0xb7: {  	v60 =	vadd.f32 v40, v57;
	v58 =	vld [tilespmem:s25+$0x0];
	v59 =	vadd.f32 v36, v56  }
0xb8: {  	v16 =	vadd.f32 v25, v16;
	v40 =	vld [tilespmem:s26+$0x100]  }
0xb9: {  	v22 =	vadd.f32 v42, v60;
	v61 =	vld [tilespmem:s25+$0x80];
	v62 =	vshrl.u32 v59, $0x1;
	v21 =	vmul.f32 $5.000000000e-01, v59  }
0xba: {  	v16 =	vadd.f32 v27, v16;
	v42 =	vld [tilespmem:s26+$0x180];
	v23 =	vsub.s32 $0x5F3759DF, v62  }
0xbb: {  	v22 =	vadd.f32 v44, v22;
	v13 =	vadd.f32 v13, v15;
	v63 =	vld [tilespmem:s25+$0x100];
	v15 =	vmul.f32 v23, v21  }
0xbc: {  	v16 =	vadd.f32 v28, v16;
	v44 =	vld [tilespmem:s26+$0x200];
	v34 =	vadd.f32 $1.000000000e+00, v58  }
0xbd: {  	v12 =	vadd.f32 v12, v13;
	v41 =	vld [tilespmem:s25+$0x180];
	v13 =	vmul.f32 v23, v15;
	v15 =	vadd.f32 v45, v22  }
0xbe: {  	v16 =	vadd.f32 v51, v16;
	v51 =	vld [tilespmem:s26+$0x300];
	v24 =	vadd.f32 v61, v34  }
0xbf: {  	v43 =	vld [tilespmem:s25+$0x200];
	v13 =	vsub.f32 $1.500000000e+00, v13;
	v15 =	vadd.f32 v46, v15  }
0xc0: {  	v16 =	vadd.f32 v52, v16;
	v52 =	vld [tilespmem:s25+$0x380];
	v24 =	vadd.f32 v63, v24  }
0xc1: {  	v10 =	vadd.f32 v10, v12;
	v45 =	vld [tilespmem:s25+$0x280];
	v12 =	vmul.f32 v23, v13;
	v13 =	vadd.f32 v47, v15  }
0xc2: {  	v16 =	vadd.f32 v53, v16;
	v53 =	vld [tilespmem:s26+$0x380];
	v24 =	vadd.f32 v41, v24  }
0xc3: {  	v9 =	vadd.f32 v9, v10;
	s16 =	sor.u32 $0x10100, s10;
	v15 =	vld [tilespmem:s25+$0x300];
	v10 =	vmul.f32 v12, v21;
	v13 =	vadd.f32 v48, v13  }
0xc4: {  	v16 =	vadd.f32 v54, v16;
	v46 =	vld [tilespmem:s26+$0x280];
	s26 =	sor.u32 s23, s16;
	v22 =	vadd.f32 v43, v24;
	s25 =	sor.u32 s0, s16;
	s16 =	sor.u32 $0x10180, s10  }
0xc5: {  	v8 =	vadd.f32 v8, v9;
	v54 =	vld [tilespmem:s26+$0x0];
	s26 =	sor.u32 s23, s16;
	v9 =	vmul.f32 v10, v12;
	v10 =	vadd.f32 v49, v13  }
0xc6: {  	v16 =	vadd.f32 v32, v16;
	v22 =	vadd.f32 v45, v22;
	v56 =	vld [tilespmem:s26+$0x0]  }
0xc7: {  	v13 =	vld [tilespmem:s25+$0x0];
	s25 =	sor.u32 s0, s16;
	s16 =	sor.u32 $0x10200, s10;
	v9 =	vsub.f32 $1.500000000e+00, v9;
	v10 =	vadd.f32 v50, v10  }
0xc8: {  	v15 =	vadd.f32 v15, v22;
	v55 =	vld [tilespmem:s25+$0x0];
	s25 =	sor.u32 s0, s16  }
0xc9: {  	v16 =	vadd.f32 v33, v16;
	s26 =	sor.u32 s23, s16;
	s16 =	sor.u32 $0x10280, s10;
	v12 =	vmul.f32 v9, v12;
	v9 =	vadd.f32 v18, v10;
	v18 =	vld [tilespmem:s25+$0x0]  }
0xca: {  	v15 =	vadd.f32 v52, v15;
	v10 =	vadd.f32 $1.000000000e+00, v19;
	v19 =	vld [tilespmem:s26+$0x0];
	s26 =	sor.u32 s23, s16  }
0xcb: {  	v8 =	vadd.f32 v26, v8;
	v57 =	vshrl.u32 v16, $0x1;
	s25 =	sor.u32 s0, s16;
	s16 =	sor.u32 $0x10300, s10;
	v58 =	vld [tilespmem:s26+$0x0]  }
0xcc: {  	v16 =	vmul.f32 $5.000000000e-01, v16;
	v13 =	vadd.f32 v13, v15;
	v10 =	vadd.f32 v17, v10;
	v17 =	vld [tilespmem:s25+$0x0];
	s25 =	sor.u32 s0, s16  }
0xcd: {  	v8 =	vadd.f32 v20, v8;
	v20 =	vsub.s32 $0x5F3759DF, v57;
	s26 =	sor.u32 s23, s16;
	s16 =	sor.u32 $0x10380, s10;
	v14 =	vadd.f32 v14, v9;
	v60 =	vld [tilespmem:s25+$0x0]  }
0xce: {  	v9 =	vmul.f32 v20, v16;
	v13 =	vadd.f32 v55, v13;
	s21 =	sor.u32 s0, s16;
	v59 =	vadd.f32 v40, v10;
	v10 =	vld [tilespmem:s26+$0x0]  }
0xcf: {  	s25 =	sor.u32 s23, s16;
	v61 =	vld [tilespmem:s21+$0x0]  }
0xd0: {  	s24 =	sadd.s32 $0x10400, s10;
	s15 =	sadd.s32 $0x10480, s10;
	v15 =	vmul.f32 v12, v21;
	s16 =	sor.u32 s29, s1;
	v62 =	vmul.f32 v20, v9;
	v9 =	vld [tilespmem:s25+$0x0];
	v13 =	vadd.f32 v18, v13  }
0xd1: {  	s1 =	simm.s32 $0x60;
	s26 =	sor.u32 s0, s24;
	v11 =	vadd.f32 v11, v14;
	s25 =	simm.s32 $0x300;
	v33 =	vld [tilespmem:s16+$0x0];
	v18 =	vshrl.u32 v8, $0x1;
	v8 =	vmul.f32 $5.000000000e-01, v8  }
0xd2: {  	s10 =	sand.u32 $0x60, s1;
	v63 =	vld [tilespmem:s26+$0x0];
	s21 =	sand.u32 $0x1C00, s25;
	s26 =	sor.u32 s0, s15;
	v18 =	vsub.s32 $0x5F3759DF, v18;
	v32 =	vsub.f32 $1.500000000e+00, v62;
	v13 =	vadd.f32 v17, v13  }
0xd3: {  	s14 =	sor.u32 s29, s14;
	v15 =	vmul.f32 v15, v12;
	s29 =	sor.u32 $0x10, s10;
	v21 =	vadd.f32 v42, v59;
	s25 =	sadd.s32 $0xED00, s21;
	v34 =	vld [tilespmem:s26+$0x0];
	v14 =	vmul.f32 v18, v8  }
0xd4: {  	v7 =	vadd.f32 v7, v11;
	s16 =	sor.u32 s29, s25;
	v11 =	vmul.f32 v20, v32;
	v20 =	vld [tilespmem:s14+$0x0];
	v13 =	vadd.f32 v60, v13  }
0xd5: {  	v15 =	vsub.f32 $1.500000000e+00, v15;
	s25 =	sor.u32 s10, s25;
	v17 =	vadd.f32 v44, v21;
	v35 =	vld [tilespmem:s16+$0x0];
	v14 =	vmul.f32 v18, v14  }
0xd6: {  	v37 =	vld [tilespmem:s25+$0x0];
	v7 =	vadd.f32 v33, v7;
	v13 =	vadd.f32 v61, v13  }
0xd7: {  	v17 =	vadd.f32 v46, v17;
	v14 =	vsub.f32 $1.500000000e+00, v14  }
0xd8: {  	v38 =	vmul.f32 v15, v12;
	v36 =	vmul.f32 v11, v16;
	v13 =	vadd.f32 v63, v13  }
0xd9: {  	v17 =	vadd.f32 v51, v17;
	v14 =	vmul.f32 v18, v14;
	v18 =	vld [tilespmem:s16+$0x80];
	v7 =	vadd.f32 v20, v7  }
0xda: {  	v15 =	vld [tilespmem:s25+$0x80];
	v12 =	vmul.f32 v36, v11;
	v23 =	vadd.f32 $1.000000000e+00, v35;
	v13 =	vadd.f32 v34, v13  }
0xdb: {  	v40 =	vld [tilespmem:s16+$0x100];
	v28 =	vadd.f32 $1.000000000e+00, v37;
	v17 =	vadd.f32 v53, v17  }
0xdc: {  	v20 =	vld [tilespmem:s25+$0x100];
	v12 =	vsub.f32 $1.500000000e+00, v12;
	v41 =	vshrl.u32 v13, $0x1;
	v13 =	vmul.f32 $5.000000000e-01, v13  }
0xdd: {  	v42 =	vld [tilespmem:s16+$0x180];
	v39 =	vmul.f32 v14, v8;
	v43 =	vshrl.u32 v7, $0x1;
	v27 =	vsub.s32 $0x5F3759DF, v41  }
0xde: {  	v44 =	vld [tilespmem:s25+$0x180];
	v7 =	vmul.f32 $5.000000000e-01, v7;
	v18 =	vadd.f32 v18, v23;
	v45 =	vmul.f32 v27, v13  }
0xdf: {  	v46 =	vld [tilespmem:s16+$0x200];
	v15 =	vadd.f32 v15, v28;
	v17 =	vadd.f32 v54, v17;
	v47 =	vsub.s32 $0x5F3759DF, v43  }
0xe0: {  	v48 =	vld [tilespmem:s25+$0x200];
	v50 =	vmul.f32 v47, v7;
	v18 =	vadd.f32 v40, v18;
	v49 =	vmul.f32 v27, v45  }
0xe1: {  	v25 =	vmul.f32 v39, v14;
	v17 =	vadd.f32 v56, v17;
	v15 =	vadd.f32 v20, v15;
	v20 =	vld [tilespmem:s16+$0x280]  }
0xe2: {  	v51 =	vld [tilespmem:s25+$0x280];
	v23 =	vmul.f32 v47, v50;
	v18 =	vadd.f32 v42, v18;
	v22 =	vsub.f32 $1.500000000e+00, v49  }
0xe3: {  	v52 =	vld [tilespmem:s16+$0x300];
	v11 =	vmul.f32 v12, v11;
	v12 =	vsub.f32 $1.500000000e+00, v25;
	v15 =	vadd.f32 v44, v15  }
0xe4: {  	v53 =	vld [tilespmem:s25+$0x300];
	v23 =	vsub.f32 $1.500000000e+00, v23;
	v18 =	vadd.f32 v46, v18;
	v22 =	vmul.f32 v27, v22  }
0xe5: {  	s26 =	sor.u32 $0x10100, s21;
	v14 =	vmul.f32 v12, v14;
	v12 =	vadd.f32 v19, v17;
	v17 =	vld [tilespmem:s16+$0x380];
	v15 =	vadd.f32 v48, v15  }
0xe6: {  	v19 =	vld [tilespmem:s25+$0x380];
	s25 =	sor.u32 s29, s26;
	v18 =	vadd.f32 v20, v18;
	v20 =	vmul.f32 v47, v23;
	v54 =	vmul.f32 v22, v13  }
0xe7: {  	s14 =	sor.u32 s10, s26;
	v16 =	vmul.f32 v11, v16;
	s26 =	sor.u32 $0x10180, s21;
	v26 =	vadd.f32 v58, v12;
	v12 =	vadd.f32 v51, v15;
	v15 =	vld [tilespmem:s25+$0x0]  }
0xe8: {  	v55 =	vld [tilespmem:s14+$0x0];
	s25 =	sor.u32 s29, s26;
	v18 =	vadd.f32 v52, v18;
	v56 =	vmul.f32 v20, v7;
	v23 =	vmul.f32 v54, v22  }
0xe9: {  	v16 =	vmul.f32 v16, v11;
	s16 =	sor.u32 s10, s26;
	v8 =	vmul.f32 v14, v8;
	s26 =	sor.u32 $0x10200, s21;
	v57 =	vld [tilespmem:s25+$0x0];
	v12 =	vadd.f32 v53, v12  }
0xea: {  	s25 =	sor.u32 s29, s26;
	v17 =	vadd.f32 v17, v18;
	v18 =	vld [tilespmem:s16+$0x0];
	v25 =	vmul.f32 v56, v20;
	v23 =	vsub.f32 $1.500000000e+00, v23  }
0xeb: {  	v16 =	vsub.f32 $1.500000000e+00, v16;
	v58 =	vmul.f32 v8, v14;
	s14 =	sor.u32 s10, s26;
	v12 =	vadd.f32 v19, v12;
	v19 =	vld [tilespmem:s25+$0x0];
	s16 =	sor.u32 $0x10280, s21  }
0xec: {  	s4 =	sand.u32 $0x380, s4;
	s26 =	sand.u32 $0x380, s2;
	s25 =	sor.u32 s29, s16;
	v15 =	vadd.f32 v15, v17;
	v17 =	vld [tilespmem:s14+$0x0];
	v59 =	vsub.f32 $1.500000000e+00, v25;
	v8 =	vmul.f32 v23, v22  }
0xed: {  	v16 =	vmul.f32 v16, v11;
	s3 =	sor.u32 s3, s26;
	s26 =	sor.u32 $0x10300, s21;
	v60 =	vsub.f32 $1.500000000e+00, v58;
	v61 =	vadd.f32 v55, v12;
	s16 =	sor.u32 s10, s16;
	v62 =	vld [tilespmem:s25+$0x0]  }
0xee: {  	s5 =	sor.u32 s5, s4;
	v12 =	vld [tilespmem:s16+$0x0];
	s16 =	sor.u32 s29, s26;
	v24 =	vadd.f32 v57, v15;
	v11 =	vmul.f32 v59, v20;
	v20 =	vmul.f32 v8, v13  }
0xef: {  	s11 =	sand.u32 $0x380, s11;
	v10 =	vadd.f32 v10, v26;
	v14 =	vmul.f32 v60, v14;
	s25 =	sor.u32 s10, s26;
	s26 =	sor.u32 $0x10380, s21;
	v15 =	vld [tilespmem:s16+$0x0];
	v18 =	vadd.f32 v18, v61  }
0xf0: {  	s4 =	sor.u32 s23, s24;
	[tilespmem:s3+$0x11500] =	vst v38;
	s3 =	sor.u32 s23, s15;
	s23 =	sor.u32 s29, s26;
	v13 =	vld [tilespmem:s25+$0x0];
	v19 =	vadd.f32 v19, v24;
	v63 =	vmul.f32 v11, v7;
	v20 =	vmul.f32 v20, v8  }
0xf1: {  	s24 =	sadd.s32 $0x10400, s21;
	s2 =	simm.s32 $0x6;
	[tilespmem:s5+$0x11500] =	vst v16;
	s26 =	sor.u32 s10, s26;
	v16 =	vld [tilespmem:s23+$0x0];
	v7 =	vadd.f32 v9, v10;
	v17 =	vadd.f32 v17, v18  }
0xf2: {  	s5 =	simm.s32 $0x400;
	[tilespmem:s31+$0x0] =	vst v14;
	s14 =	sor.u32 s29, s24;
	v14 =	vld [tilespmem:s26+$0x0];
	s23 =	simm.s32 $0x80;
	v18 =	vadd.f32 v62, v19;
	v10 =	vmul.f32 v63, v11;
	v9 =	vsub.f32 $1.500000000e+00, v20  }
.LBB2_8:
0xf3: {  	s16 =	sand.u32 $0x60, s23;
	v12 =	vadd.f32 v12, v17;
	s25 =	sadd.s32 $0x10480, s21;
	s21 =	sand.u32 $0x1C00, s5;
	v17 =	vld [tilespmem:s14+$0x0]  }
0xf4: {  	s2 =	sadd.s32 $0x2, s2;
	s15 =	sadd.s32 $0xED00, s21;
	v15 =	vadd.f32 v15, v18;
	s14 =	sor.u32 s29, s25;
	v18 =	vld [tilespmem:s4+$0x0];
	v8 =	vmul.f32 v9, v8;
	v9 =	vsub.f32 $1.500000000e+00, v10  }
0xf5: {  	s0 =	sor.u32 s0, s11;
	s26 =	sor.u32 $0x10, s16;
	p3 =	slt.u32 s2, $0x26;
	v10 =	vadd.f32 v13, v12;
	v12 =	vld [tilespmem:s14+$0x0]  }
0xf6: {  	s4 =	sor.u32 s10, s24;
	s14 =	sor.u32 s16, s15;
	s15 =	sor.u32 s26, s15;
	v13 =	vadd.f32 v16, v15;
	v15 =	vld [tilespmem:s3+$0x0];
	[tilespmem:s0+$0x11500] =	vst v8;
	v8 =	vmul.f32 v9, v11  }
0xf7: {  	s31 =	sadd.s32 $0x20, s31;
	s3 =	sor.u32 s10, s25;
	s10 =	smov.u32 s16;
	v9 =	vld [tilespmem:s15+$0x0];
	v10 =	vadd.f32 v14, v10  }
0xf8: {  	s11 =	smov.u32 s1;
	s0 =	smov.u32 s29;
	s29 =	smov.u32 s26;
	v11 =	vld [tilespmem:s14+$0x0];
	v13 =	vadd.f32 v17, v13;
	[tilespmem:s31+$0x0] =	vst v8  }
0xf9: {  	s1 =	smov.u32 s23;
	v8 =	vld [tilespmem:s15+$0x80];
	v14 =	vadd.f32 v18, v7;
	v7 =	vmov v10  }
0xfa: {  	v10 =	vld [tilespmem:s14+$0x80];
	v12 =	vadd.f32 v12, v13  }
0xfb: {  	v13 =	vld [tilespmem:s15+$0x100];
	v14 =	vadd.f32 v15, v14  }
0xfc: {  	v15 =	vld [tilespmem:s14+$0x100];
	v9 =	vadd.f32 $1.000000000e+00, v9;
	v16 =	vshrl.u32 v12, $0x1;
	v17 =	vmul.f32 $5.000000000e-01, v12  }
0xfd: {  	v11 =	vadd.f32 $1.000000000e+00, v11;
	v12 =	vld [tilespmem:s15+$0x180];
	v16 =	vsub.s32 $0x5F3759DF, v16;
	v18 =	vshrl.u32 v14, $0x1  }
0xfe: {  	v14 =	vmul.f32 $5.000000000e-01, v14;
	v19 =	vld [tilespmem:s14+$0x180];
	v8 =	vadd.f32 v8, v9;
	v9 =	vmul.f32 v16, v17  }
0xff: {  	v18 =	vsub.s32 $0x5F3759DF, v18;
	v10 =	vadd.f32 v10, v11;
	v11 =	vld [tilespmem:s15+$0x200]  }
0x100: {  	v20 =	vld [tilespmem:s14+$0x200];
	v8 =	vadd.f32 v13, v8;
	v9 =	vmul.f32 v16, v9;
	v13 =	vmul.f32 v18, v14  }
0x101: {  	v10 =	vadd.f32 v15, v10;
	v15 =	vld [tilespmem:s15+$0x280]  }
0x102: {  	v21 =	vld [tilespmem:s14+$0x280];
	v8 =	vadd.f32 v12, v8;
	v9 =	vsub.f32 $1.500000000e+00, v9;
	v12 =	vmul.f32 v18, v13  }
0x103: {  	v10 =	vadd.f32 v19, v10;
	v13 =	vld [tilespmem:s15+$0x300]  }
0x104: {  	v19 =	vld [tilespmem:s14+$0x300];
	v8 =	vadd.f32 v11, v8;
	v9 =	vmul.f32 v16, v9;
	v11 =	vsub.f32 $1.500000000e+00, v12  }
0x105: {  	s16 =	sor.u32 $0x10100, s21;
	v10 =	vadd.f32 v20, v10;
	v12 =	vld [tilespmem:s15+$0x380]  }
0x106: {  	s15 =	sor.u32 s29, s16;
	v16 =	vld [tilespmem:s14+$0x380];
	s14 =	sor.u32 s10, s16;
	v8 =	vadd.f32 v15, v8;
	v15 =	vmul.f32 v9, v17;
	v11 =	vmul.f32 v18, v11  }
0x107: {  	s16 =	sor.u32 $0x10180, s21;
	v10 =	vadd.f32 v21, v10;
	v18 =	vld [tilespmem:s15+$0x0]  }
0x108: {  	s15 =	sor.u32 s29, s16;
	v20 =	vld [tilespmem:s14+$0x0];
	s14 =	sor.u32 s10, s16;
	v8 =	vadd.f32 v13, v8;
	v13 =	vmul.f32 v15, v9;
	v15 =	vmul.f32 v11, v14  }
0x109: {  	s16 =	sor.u32 $0x10200, s21;
	v10 =	vadd.f32 v19, v10;
	v19 =	vld [tilespmem:s15+$0x0]  }
0x10a: {  	s15 =	sor.u32 s29, s16;
	v21 =	vld [tilespmem:s14+$0x0];
	s14 =	sor.u32 s10, s16;
	v8 =	vadd.f32 v12, v8;
	v12 =	vsub.f32 $1.500000000e+00, v13;
	v13 =	vmul.f32 v15, v11  }
0x10b: {  	s16 =	sor.u32 $0x10280, s21;
	v10 =	vadd.f32 v16, v10;
	v16 =	vld [tilespmem:s15+$0x0]  }
0x10c: {  	s15 =	sor.u32 s29, s16;
	v22 =	vld [tilespmem:s14+$0x0];
	s14 =	sor.u32 s10, s16;
	v15 =	vadd.f32 v18, v8;
	v8 =	vmul.f32 v12, v9;
	v9 =	vsub.f32 $1.500000000e+00, v13  }
0x10d: {  	s16 =	sor.u32 $0x10300, s21;
	v10 =	vadd.f32 v20, v10;
	v18 =	vld [tilespmem:s15+$0x0]  }
.Ltmp4:
0x10e: {  	s15 =	sor.u32 s29, s16;
	v12 =	vld [tilespmem:s14+$0x0];
	s14 =	sor.u32 s10, s16;
	v19 =	vadd.f32 v19, v15;
	v17 =	vmul.f32 v8, v17;
	v11 =	vmul.f32 v9, v11;
	(pc) =	sbr.rel @p3 .LBB2_8-.Ltmp4, $4  }
0x10f: {  	s16 =	sor.u32 $0x10380, s21;
	v9 =	vadd.f32 v21, v10;
	v15 =	vld [tilespmem:s15+$0x0]  }
0x110: {  	s15 =	sor.u32 s29, s16;
	v13 =	vld [tilespmem:s14+$0x0];
	s14 =	sor.u32 s10, s16;
	v10 =	vadd.f32 v16, v19;
	v19 =	vmul.f32 v17, v8;
	v20 =	vmul.f32 v11, v14  }
0x111: {  	s5 =	sadd.s32 $0x100, s5;
	s24 =	sadd.s32 $0x10400, s21;
	v17 =	vadd.f32 v22, v9;
	v16 =	vld [tilespmem:s15+$0x0]  }
0x112: {  	s23 =	sadd.s32 $0x20, s23;
	s11 =	sand.u32 $0x380, s11;
	v14 =	vld [tilespmem:s14+$0x0];
	v18 =	vadd.f32 v18, v10;
	s14 =	sor.u32 s29, s24;
	v9 =	vsub.f32 $1.500000000e+00, v19;
	v10 =	vmul.f32 v20, v11  }
0x113: {  	v19 =	vld [tilespmem:s14+$0x0]  }
0x114: {  	v45 =	vld [tilespmem:s4+$0x0]  }
0x115: {  	s2 =	sadd.s32 $0x10480, s21;
	v12 =	vadd.f32 v12, v17;
	s23 =	sor.u32 s10, s24;
	v48 =	vld [tilespmem:s3+$0x0]  }
0x116: {  	v15 =	vadd.f32 v15, v18;
	s5 =	sor.u32 s29, s2;
	v47 =	vld [tilespmem:s23+$0x0]  }
0x117: {  	s2 =	sor.u32 s10, s2;
	v46 =	vld [tilespmem:s5+$0x0];
	v12 =	vadd.f32 v13, v12  }
0x118: {  	v49 =	vld [tilespmem:s2+$0x0];
	v15 =	vadd.f32 v16, v15  }
0x119: {  	v12 =	vadd.f32 v14, v12  }
0x11a: {  	v15 =	vadd.f32 v19, v15;
	v7 =	vadd.f32 v45, v7  }
0x11b: {  	v12 =	vadd.f32 v47, v12  }
0x11c: {  	v50 =	vadd.f32 v46, v15;
	v7 =	vadd.f32 v48, v7  }
0x11d: {  	v12 =	vadd.f32 v49, v12  }
0x11e: {  	v51 =	vshrl.u32 v50, $0x1;
	v14 =	vmul.f32 $5.000000000e-01, v50;
	v52 =	vshrl.u32 v7, $0x1  }
0x11f: {  	v7 =	vmul.f32 $5.000000000e-01, v7;
	v13 =	vsub.s32 $0x5F3759DF, v51;
	v15 =	vsub.s32 $0x5F3759DF, v52  }
0x120: {  	v54 =	vshrl.u32 v12, $0x1;
	v12 =	vmul.f32 $5.000000000e-01, v12;
	v53 =	vmul.f32 v13, v14  }
0x121: {  	v55 =	vmul.f32 v15, v7;
	v17 =	vsub.s32 $0x5F3759DF, v54  }
0x122: {  	v56 =	vmul.f32 v17, v12;
	v16 =	vmul.f32 v13, v53  }
0x123: {  	v18 =	vmul.f32 v15, v55  }
0x124: {  	v19 =	vmul.f32 v17, v56;
	v16 =	vsub.f32 $1.500000000e+00, v16  }
0x125: {  	v18 =	vsub.f32 $1.500000000e+00, v18  }
0x126: {  	v57 =	vsub.f32 $1.500000000e+00, v19;
	v13 =	vmul.f32 v13, v16  }
0x127: {  	v15 =	vmul.f32 v15, v18  }
0x128: {  	v16 =	vmul.f32 v17, v57;
	v58 =	vmul.f32 v13, v14  }
0x129: {  	v59 =	vmul.f32 v15, v7  }
0x12a: {  	v60 =	vmul.f32 v16, v12;
	v18 =	vmul.f32 v58, v13  }
0x12b: {  	v17 =	vmul.f32 v59, v15  }
0x12c: {  	v19 =	vmul.f32 v60, v16;
	v18 =	vsub.f32 $1.500000000e+00, v18  }
0x12d: {  	v17 =	vsub.f32 $1.500000000e+00, v17  }
0x12e: {  	v61 =	vsub.f32 $1.500000000e+00, v19;
	v13 =	vmul.f32 v18, v13  }
0x12f: {  	v15 =	vmul.f32 v17, v15  }
0x130: {  	v16 =	vmul.f32 v61, v16;
	v14 =	vmul.f32 v13, v14  }
0x131: {  	v7 =	vmul.f32 v15, v7  }
0x132: {  	v12 =	vmul.f32 v16, v12;
	v14 =	vmul.f32 v14, v13  }
0x133: {  	v10 =	vsub.f32 $1.500000000e+00, v10;
	v7 =	vmul.f32 v7, v15  }
0x134: {  	v8 =	vmul.f32 v9, v8;
	v12 =	vmul.f32 v12, v16;
	v62 =	vsub.f32 $1.500000000e+00, v14  }
0x135: {  	s0 =	sor.u32 s0, s11;
	v10 =	vmul.f32 v10, v11;
	v7 =	vsub.f32 $1.500000000e+00, v7  }
0x136: {  	s24 =	sadd.s32 $0x20, s31;
	s1 =	sand.u32 $0x380, s1;
	[tilespmem:s0+$0x11500] =	vst v8;
	v63 =	vsub.f32 $1.500000000e+00, v12;
	v8 =	vmul.f32 v62, v13  }
0x137: {  	s1 =	sor.u32 s29, s1;
	[tilespmem:s24+$0x0] =	vst v10;
	v7 =	vmul.f32 v7, v15  }
0x138: {  	s0 =	sadd.s32 $0x20, s24;
	[tilespmem:s1+$0x11500] =	vst v8;
	v8 =	vmul.f32 v63, v16  }
0x139: {  	[tilespmem:s0+$0x0] =	vst v7;
	s0 =	sadd.s32 $0x20, s0  }
0x13a: {  	[tilespmem:s0+$0x0] =	vst v8  }
0x13b: {  	s25 =	simm.s32 $0x11500;
	s0 =	rddreg [dreg:$0x7]  }
0x13c: {  	[spmem:s0] =	stream.linear.scatter [tilespmem:s25], [sflag:$0x2], $0x280, $0x38;
	[tilespmem:$0x14200] =	vst v63  }
0x13d: {  	_ =	swait.ge [sflag:s22], $0x280  }
0x13e: {  	s1 =	simm.s32 @!p0 $0x11500;
	[sflag:s22] =	ssyncset.done $0x0  }
0x13f: {  	s0 =	simm.s32 @!p0 $0x0;
	s2 =	rddreg [dreg:$0x8];
	[sflag:s22] =	ssyncadd.s32 $0xFFFFFD80  }
0x140: {  	[hbm4b:s2+s0] =	stream.linear.scatter @!p0 [tilespmem:s1], [sflag:$0x2], $0x280, $0x38;
	[tilespmem:$0x14200] =	vst v63  }
0x141: {  	s0 =	simm.s32 @!p0 $0x2  }
0x142: {  	_ =	swait.ge @!p0 [sflag:s0], $0x280  }
0x143: {  	[sflag:s0] =	ssyncset.done @!p0 $0x0  }
0x144: {  	[sflag:s0] =	ssyncadd.s32 @!p0 $0xFFFFFD80  }
0x145: {  	[bflag:$0x0] =	sbarrier.arrive $0xFFFF  }
.Ltmp5:
0x146: {  	s26 =	rddreg [dreg:$0x3];
	(pc) =	sbr.rel @p1 .LBB2_13-.Ltmp5, $4  }
0x147: {  	[tilespmem:s28], [sflag:$0x2] =	stream.linear.gather [spmem:s26], $0x2800, $0x38;
	[tilespmem:$0x14200] =	vst v63  }
0x148: {  	_ =	swait.ge [sflag:s22], $0x2800  }
0x149: {  	s31 =	simm.s32 $0x14000;
	[sflag:s22] =	ssyncset.done $0x0  }
0x14a: {  	s29 =	simm.s32 $0x1400;
	s26 =	simm.s32 $0x400;
	[sflag:s22] =	ssyncadd.s32 $0xFFFFD800  }
0x14b: {  	_ =	sdelay $0x2  }
0x14c: {  	s0 =	simm.s32 $0x0  }
0x14d: {  	v7 =	vld.idx.msk [tilespmem:v4+s0+$0x0 ss:$0x1], $0xffff  }
0x14e: {  	v8 =	vld.idx.msk [tilespmem:v0+s0+$0x10 ss:$0x1], $0xffff  }
0x14f: {  	v9 =	vld.idx.msk [tilespmem:v0+s0+$0x20 ss:$0x1], $0xffff  }
0x150: {  	v10 =	vld.idx.msk [tilespmem:v0+s0+$0x30 ss:$0x1], $0xffff  }
0x151: {  	v11 =	vld.idx.msk [tilespmem:v1+s0+$0x80 ss:$0x1], $0xffff  }
0x152: {  	v12 =	vld.idx.msk [tilespmem:v2+s0+$0x80 ss:$0x1], $0xffff  }
0x153: {  	v13 =	vld.idx.msk [tilespmem:v4+s0+$0xFFFFFF80 ss:$0x1], $0xffff  }
0x154: {  	v14 =	vld.idx.msk [tilespmem:v3+s0+$0x80 ss:$0x1], $0xffff  }
0x155: {  	v15 =	vld.idx.msk [tilespmem:v0+s0+$0x0 ss:$0x1], $0xffff  }
0x156: {  	v63 =	vld.idx.msk [tilespmem:v0+s0+$0xFFFFFF80 ss:$0x1], $0xffff  }
0x157: {  	v17 =	vld.idx.msk [tilespmem:v0+s0+$0xFFFFFF90 ss:$0x1], $0xffff  }
0x158: {  	v18 =	vld.idx.msk [tilespmem:v0+s0+$0xFFFFFFA0 ss:$0x1], $0xffff  }
0x159: {  	v19 =	vld.idx.msk [tilespmem:v0+s0+$0xFFFFFFB0 ss:$0x1], $0xffff  }
0x15a: {  	v20 =	vld.idx.msk [tilespmem:v1+s0+$0x0 ss:$0x1], $0xffff  }
0x15b: {  	v21 =	vld.idx.msk [tilespmem:v2+s0+$0x0 ss:$0x1], $0xffff  }
0x15c: {  	v7 =	vld.idx.msk [tilespmem:v7+s28+$0x0], $0xffff  }
0x15d: {  	v62 =	vld.idx.msk [tilespmem:v15+s28+$0x0], $0xffff  }
0x15e: {  	v16 =	vld.idx.msk [tilespmem:v8+s28+$0x0], $0xffff  }
0x15f: {  	v9 =	vld.idx.msk [tilespmem:v9+s28+$0x0], $0xffff  }
0x160: {  	v10 =	vld.idx.msk [tilespmem:v10+s28+$0x0], $0xffff  }
0x161: {  	[tilespmem:v13+s19+$0x0] =	vst.idx.add.f32.msk $0xffff, v7  }
0x162: {  	[tilespmem:v63+s19+$0x0] =	vst.idx.add.f32.msk $0xffff, v62  }
0x163: {  	[tilespmem:v17+s19+$0x0] =	vst.idx.add.f32.msk $0xffff, v16  }
0x164: {  	[tilespmem:v18+s19+$0x0] =	vst.idx.add.f32.msk $0xffff, v9  }
0x165: {  	v11 =	vld.idx.msk [tilespmem:v11+s28+$0x0], $0xffff;
	s25 =	rddreg [dreg:$0x5]  }
0x166: {  	v8 =	vld.idx.msk [tilespmem:v3+s0+$0x0 ss:$0x1], $0xffff;
	s0 =	sadd.s32 $0x8, s25  }
0x167: {  	v12 =	vld.idx.msk [tilespmem:v12+s28+$0x0], $0xffff;
	p3 =	slt.u32 s0, s13  }
.Ltmp6:
0x168: {  	_ = 	snop;
	(pc) =	sbr.rel @!p3 .LBB2_12-.Ltmp6, $4  }
0x169: {  	v7 =	vld.idx.msk [tilespmem:v14+s28+$0x0], $0xffff  }
0x16a: {  	[tilespmem:v19+s19+$0x0] =	vst.idx.add.f32.msk $0xffff, v10  }
0x16b: {  	[tilespmem:v20+s19+$0x0] =	vst.idx.add.f32.msk $0xffff, v11  }
0x16c: {  	s1 =	simm.s32 $0x100;
	[tilespmem:v21+s19+$0x0] =	vst.idx.add.f32.msk $0xffff, v12  }
.LBB2_11:
0x16d: {  	v9 =	vld.idx.msk [tilespmem:v4+s1+$0x0 ss:$0x1], $0xffff;
	s0 =	sadd.s32 $0x8, s0  }
0x16e: {  	v10 =	vld.idx.msk [tilespmem:v0+s1+$0x10 ss:$0x1], $0xffff;
	p3 =	slt.u32 s0, s13  }
0x16f: {  	v11 =	vld.idx.msk [tilespmem:v0+s1+$0x20 ss:$0x1], $0xffff  }
0x170: {  	v12 =	vld.idx.msk [tilespmem:v0+s1+$0x30 ss:$0x1], $0xffff  }
0x171: {  	v13 =	vld.idx.msk [tilespmem:v1+s1+$0x80 ss:$0x1], $0xffff  }
0x172: {  	v14 =	vld.idx.msk [tilespmem:v2+s1+$0x80 ss:$0x1], $0xffff  }
0x173: {  	v15 =	vld.idx.msk [tilespmem:v4+s1+$0xFFFFFF80 ss:$0x1], $0xffff  }
0x174: {  	v16 =	vld.idx.msk [tilespmem:v3+s1+$0x80 ss:$0x1], $0xffff  }
0x175: {  	v9 =	vld.idx.msk [tilespmem:v9+s28+$0x0], $0xffff  }
0x176: {  	v17 =	vld.idx.msk [tilespmem:v0+s1+$0x0 ss:$0x1], $0xffff  }
0x177: {  	v10 =	vld.idx.msk [tilespmem:v10+s28+$0x0], $0xffff  }
0x178: {  	v11 =	vld.idx.msk [tilespmem:v11+s28+$0x0], $0xffff  }
0x179: {  	v12 =	vld.idx.msk [tilespmem:v12+s28+$0x0], $0xffff  }
0x17a: {  	v13 =	vld.idx.msk [tilespmem:v13+s28+$0x0], $0xffff  }
0x17b: {  	[tilespmem:v15+s19+$0x0] =	vst.idx.add.f32.msk $0xffff, v9  }
0x17c: {  	v9 =	vld.idx.msk [tilespmem:v14+s28+$0x0], $0xffff  }
0x17d: {  	v14 =	vld.idx.msk [tilespmem:v16+s28+$0x0], $0xffff  }
0x17e: {  	v15 =	vld.idx.msk [tilespmem:v17+s28+$0x0], $0xffff  }
0x17f: {  	v16 =	vld.idx.msk [tilespmem:v0+s1+$0xFFFFFF80 ss:$0x1], $0xffff  }
0x180: {  	v17 =	vld.idx.msk [tilespmem:v0+s1+$0xFFFFFF90 ss:$0x1], $0xffff  }
0x181: {  	v18 =	vld.idx.msk [tilespmem:v0+s1+$0xFFFFFFA0 ss:$0x1], $0xffff  }
0x182: {  	v19 =	vld.idx.msk [tilespmem:v0+s1+$0xFFFFFFB0 ss:$0x1], $0xffff  }
0x183: {  	v20 =	vld.idx.msk [tilespmem:v1+s1+$0x0 ss:$0x1], $0xffff  }
0x184: {  	v21 =	vld.idx.msk [tilespmem:v2+s1+$0x0 ss:$0x1], $0xffff  }
0x185: {  	v22 =	vld.idx.msk [tilespmem:v3+s1+$0x0 ss:$0x1], $0xffff  }
0x186: {  	[tilespmem:v8+s19+$0x0] =	vst.idx.add.f32.msk $0xffff, v7;
	v7 =	vmov v14  }
0x187: {  	[tilespmem:v16+s19+$0x0] =	vst.idx.add.f32.msk $0xffff, v15  }
.Ltmp7:
0x188: {  	[tilespmem:v17+s19+$0x0] =	vst.idx.add.f32.msk $0xffff, v10;
	(pc) =	sbr.rel @p3 .LBB2_11-.Ltmp7, $4  }
0x189: {  	[tilespmem:v18+s19+$0x0] =	vst.idx.add.f32.msk $0xffff, v11  }
0x18a: {  	[tilespmem:v19+s19+$0x0] =	vst.idx.add.f32.msk $0xffff, v12;
	v8 =	vmov v22  }
0x18b: {  	[tilespmem:v20+s19+$0x0] =	vst.idx.add.f32.msk $0xffff, v13  }
0x18c: {  	s1 =	sadd.s32 $0x100, s1;
	[tilespmem:v21+s19+$0x0] =	vst.idx.add.f32.msk $0xffff, v9  }
.LBB2_12:
0x18d: {  	_ =	sdelay $0x3  }
0x18e: {  	[tilespmem:v8+s19+$0x0] =	vst.idx.add.f32.msk $0xffff, v7  }
.LBB2_13:
.Ltmp8:
0x18f: {  	(pc) =	sbr.rel @p2 .LBB2_15-.Ltmp8, $2  }
0x190: {  	_ =	sdelay $0x2  }
0x191: {  	s0 =	smov.u32 s12;
	s1 =	smov.u32 s9;
	s2 =	smov.u32 s8  }
.LBB2_14:
0x192: {  	s3 =	sand.u32 $0x70, s0;
	s4 =	sand.u32 $0xFFFFFF00, s1  }
0x193: {  	s3 =	sor.u32 s3, s4  }
0x194: {  	v7 =	vld [tilespmem:s3+$0x80];
	_ =	sdelay $0x4  }
0x195: {  	v8 =	vld [tilespmem:s3+$0x0];
	_ =	sdelay $0x2  }
0x196: {  	p3 =	sne.s32 s2, $0x1;
	v7 =	vld.idx.msk [tilespmem:v7+s28+$0x0], $0xffff  }
.Ltmp9:
0x197: {  	_ = 	snop;
	(pc) =	sbr.rel @p3 .LBB2_14-.Ltmp9, $2  }
0x198: {  	_ =	sdelay $0x2  }
0x199: {  	s1 =	sadd.s32 $0x20, s1;
	s0 =	sadd.s32 $0x10, s0;
	s2 =	sadd.s32 $0xFFFFFFFF, s2;
	[tilespmem:v8+s19+$0x0] =	vst.idx.add.f32.msk $0xffff, v7  }
.LBB2_15:
0x19a: {  	[spmem:s6] =	stream.strided.scatter [tilespmem:s19], [sflag:$0x2], $0x2800, s26, s20, $0x38;
	[tilespmem:$0x14200] =	vst v63  }
0x19b: {  	_ =	swait.ge [sflag:s22], $0x2800  }
0x19c: {  	[sflag:s22] =	ssyncset.done $0x0  }
0x19d: {  	[sflag:s22] =	ssyncadd.s32 $0xFFFFD800  }
0x19e: {  	s0 =	simm.s32 $0xED00;
	s10 =	simm.s32 $0x0;
	[bflag:$0x0] =	sbarrier.arrive $0xFFFF  }
0x19f: {  	[tilespmem:s0], [sflag:$0x2] =	stream.strided.gather [spmem:s7], $0x2800, s31, s29, $0x38;
	[tilespmem:$0x14200] =	vst v63  }
0x1a0: {  	s1 =	sand.u32 $0x60, s10;
	s0 =	sand.u32 $0x1C00, s10;
	_ =	swait.ge [sflag:s22], $0x2800  }
0x1a1: {  	s5 =	sor.u32 $0x10, s1;
	s2 =	sadd.s32 $0xED00, s0;
	[sflag:s22] =	ssyncset.done $0x0  }
0x1a2: {  	s3 =	sor.u32 s5, s2;
	[sflag:s22] =	ssyncadd.s32 $0xFFFFD800  }
0x1a3: {  	s2 =	sor.u32 s1, s2;
	v7 =	vld [tilespmem:s3+$0x0]  }
0x1a4: {  	v8 =	vld [tilespmem:s2+$0x0]  }
0x1a5: {  	v9 =	vld [tilespmem:s3+$0x80]  }
0x1a6: {  	v10 =	vld [tilespmem:s2+$0x80]  }
0x1a7: {  	v11 =	vld [tilespmem:s3+$0x100]  }
0x1a8: {  	v12 =	vld [tilespmem:s2+$0x100]  }
0x1a9: {  	v13 =	vld [tilespmem:s3+$0x180]  }
0x1aa: {  	v14 =	vld [tilespmem:s2+$0x180]  }
0x1ab: {  	v15 =	vld [tilespmem:s3+$0x200]  }
0x1ac: {  	v16 =	vld [tilespmem:s2+$0x200]  }
0x1ad: {  	v17 =	vld [tilespmem:s3+$0x280]  }
0x1ae: {  	v18 =	vld [tilespmem:s2+$0x280]  }
0x1af: {  	v19 =	vld [tilespmem:s3+$0x300]  }
0x1b0: {  	v20 =	vld [tilespmem:s2+$0x300]  }
0x1b1: {  	s4 =	sor.u32 $0x10100, s0;
	v21 =	vld [tilespmem:s3+$0x380]  }
0x1b2: {  	s14 =	sor.u32 $0x10180, s0;
	s11 =	sor.u32 s1, s4;
	v22 =	vld [tilespmem:s2+$0x380]  }
0x1b3: {  	s15 =	sor.u32 s5, s14;
	v24 =	vld [tilespmem:s11+$0x0]  }
0x1b4: {  	s21 =	sor.u32 $0x10200, s0;
	s16 =	sor.u32 s1, s14;
	v25 =	vld [tilespmem:s15+$0x0]  }
0x1b5: {  	s23 =	sor.u32 s5, s21;
	v26 =	vld [tilespmem:s16+$0x0]  }
0x1b6: {  	s24 =	sor.u32 s1, s21;
	v27 =	vld [tilespmem:s23+$0x0]  }
0x1b7: {  	s25 =	sor.u32 $0x10280, s0;
	s3 =	sor.u32 s5, s4;
	v28 =	vld [tilespmem:s24+$0x0]  }
0x1b8: {  	s4 =	sor.u32 s1, s25;
	v23 =	vld [tilespmem:s3+$0x0]  }
0x1b9: {  	s11 =	sor.u32 $0x10300, s0;
	s3 =	sor.u32 s5, s25;
	v30 =	vld [tilespmem:s4+$0x0]  }
0x1ba: {  	s14 =	sor.u32 s5, s11;
	v29 =	vld [tilespmem:s3+$0x0]  }
0x1bb: {  	s16 =	sor.u32 $0x10380, s0;
	s15 =	sor.u32 s1, s11;
	v31 =	vld [tilespmem:s14+$0x0]  }
0x1bc: {  	s21 =	sor.u32 s5, s16;
	v32 =	vld [tilespmem:s15+$0x0]  }
0x1bd: {  	s23 =	sadd.s32 $0x10400, s0;
	s4 =	sor.u32 s1, s16;
	v33 =	vld [tilespmem:s21+$0x0]  }
0x1be: {  	s24 =	sor.u32 s5, s23;
	s25 =	simm.s32 $0x100;
	v34 =	vld [tilespmem:s4+$0x0]  }
0x1bf: {  	s14 =	sor.u32 s1, s23;
	s21 =	simm.s32 $0x20;
	s15 =	sadd.s32 $0x10480, s0;
	v35 =	vld [tilespmem:s24+$0x0]  }
0x1c0: {  	s2 =	sand.u32 $0x1C00, s25;
	s11 =	sand.u32 $0x60, s21;
	v36 =	vld [tilespmem:s14+$0x0];
	s0 =	sor.u32 s5, s15  }
0x1c1: {  	s3 =	sadd.s32 $0xED00, s2;
	s15 =	sor.u32 s1, s15;
	s23 =	sor.u32 $0x10, s11;
	v37 =	vld [tilespmem:s0+$0x0]  }
0x1c2: {  	v49 =	vld [tilespmem:s15+$0x0];
	s4 =	sor.u32 s23, s3  }
0x1c3: {  	s3 =	sor.u32 s11, s3;
	v38 =	vld [tilespmem:s4+$0x0]  }
0x1c4: {  	v39 =	vld [tilespmem:s3+$0x0]  }
0x1c5: {  	v40 =	vld [tilespmem:s4+$0x80]  }
0x1c6: {  	v41 =	vld [tilespmem:s3+$0x80]  }
0x1c7: {  	v42 =	vld [tilespmem:s4+$0x100]  }
0x1c8: {  	v43 =	vld [tilespmem:s3+$0x100]  }
0x1c9: {  	v8 =	vadd.f32 $0.0e+00, v8;
	v44 =	vld [tilespmem:s4+$0x180]  }
0x1ca: {  	v7 =	vadd.f32 $0.0e+00, v7;
	v45 =	vld [tilespmem:s3+$0x180]  }
0x1cb: {  	v46 =	vld [tilespmem:s4+$0x200];
	v8 =	vadd.f32 v10, v8  }
0x1cc: {  	v7 =	vadd.f32 v9, v7;
	v9 =	vld [tilespmem:s3+$0x200]  }
0x1cd: {  	v10 =	vld [tilespmem:s4+$0x280];
	v8 =	vadd.f32 v12, v8  }
0x1ce: {  	v7 =	vadd.f32 v11, v7;
	v11 =	vld [tilespmem:s3+$0x280]  }
0x1cf: {  	v12 =	vld [tilespmem:s4+$0x300];
	v8 =	vadd.f32 v14, v8  }
0x1d0: {  	v7 =	vadd.f32 v13, v7;
	v13 =	vld [tilespmem:s3+$0x300]  }
0x1d1: {  	s14 =	sor.u32 $0x10100, s2;
	v14 =	vld [tilespmem:s4+$0x380];
	v8 =	vadd.f32 v16, v8  }
0x1d2: {  	s25 =	sor.u32 $0x10180, s2;
	s16 =	sor.u32 s23, s14;
	v7 =	vadd.f32 v15, v7;
	v15 =	vld [tilespmem:s3+$0x380]  }
0x1d3: {  	s24 =	sor.u32 s11, s14;
	s14 =	sor.u32 $0x10200, s2;
	v16 =	vld [tilespmem:s16+$0x0];
	s3 =	sor.u32 s23, s25;
	v8 =	vadd.f32 v18, v8  }
0x1d4: {  	s16 =	sor.u32 s23, s14;
	v57 =	vld [tilespmem:s3+$0x0];
	v7 =	vadd.f32 v17, v7  }
0x1d5: {  	v58 =	vld [tilespmem:s16+$0x0];
	v8 =	vadd.f32 v20, v8  }
0x1d6: {  	s4 =	sor.u32 s11, s25;
	v17 =	vld [tilespmem:s24+$0x0];
	v7 =	vadd.f32 v19, v7  }
0x1d7: {  	s25 =	sor.u32 $0x10280, s2;
	s24 =	sor.u32 s11, s14;
	v19 =	vld [tilespmem:s4+$0x0];
	v8 =	vadd.f32 v22, v8  }
0x1d8: {  	s3 =	sor.u32 s23, s25;
	s4 =	sor.u32 s11, s25;
	s25 =	sor.u32 $0x10380, s2;
	v7 =	vadd.f32 v21, v7;
	v21 =	vld [tilespmem:s24+$0x0]  }
0x1d9: {  	v22 =	vld [tilespmem:s3+$0x0];
	s3 =	sor.u32 s23, s25;
	v8 =	vadd.f32 v24, v8  }
0x1da: {  	s14 =	sor.u32 $0x10300, s2;
	v60 =	vld [tilespmem:s3+$0x0];
	v7 =	vadd.f32 v23, v7  }
0x1db: {  	s16 =	sor.u32 s23, s14;
	s24 =	sor.u32 s11, s14;
	v23 =	vld [tilespmem:s4+$0x0];
	v8 =	vadd.f32 v26, v8  }
0x1dc: {  	v59 =	vadd.f32 $0.0e+00, v38;
	s14 =	sadd.s32 $0x10400, s2;
	s3 =	simm.s32 $0x200;
	v24 =	vld [tilespmem:s16+$0x0];
	s4 =	sor.u32 s11, s25;
	v7 =	vadd.f32 v25, v7  }
0x1dd: {  	s0 =	simm.s32 $0x40;
	v62 =	vadd.f32 $0.0e+00, v39;
	s16 =	sor.u32 s11, s14;
	v61 =	vld [tilespmem:s4+$0x0];
	s4 =	sand.u32 $0x1C00, s3;
	v8 =	vadd.f32 v28, v8  }
0x1de: {  	v25 =	vld [tilespmem:s24+$0x0];
	s24 =	sor.u32 s23, s14;
	v26 =	vadd.f32 v40, v59;
	s14 =	sadd.s32 $0x10480, s2;
	s2 =	sand.u32 $0x60, s0;
	v7 =	vadd.f32 v27, v7  }
0x1df: {  	v63 =	vld [tilespmem:s24+$0x0];
	s24 =	sadd.s32 $0xED00, s4;
	s1 =	sor.u32 $0x10, s2;
	v28 =	vadd.f32 v41, v62;
	v8 =	vadd.f32 v30, v8  }
0x1e0: {  	v47 =	vld [tilespmem:s16+$0x0];
	v26 =	vadd.f32 v42, v26;
	s16 =	sor.u32 s1, s24;
	v7 =	vadd.f32 v29, v7  }
0x1e1: {  	s25 =	sor.u32 s23, s14;
	v50 =	vld [tilespmem:s16+$0x0];
	v28 =	vadd.f32 v43, v28;
	v8 =	vadd.f32 v32, v8  }
0x1e2: {  	v48 =	vld [tilespmem:s25+$0x0];
	s24 =	sor.u32 s2, s24;
	v26 =	vadd.f32 v44, v26;
	v7 =	vadd.f32 v31, v7  }
0x1e3: {  	v51 =	vld [tilespmem:s24+$0x0];
	v28 =	vadd.f32 v45, v28;
	v8 =	vadd.f32 v34, v8  }
0x1e4: {  	v52 =	vld [tilespmem:s16+$0x80];
	v26 =	vadd.f32 v46, v26;
	v7 =	vadd.f32 v33, v7  }
0x1e5: {  	v9 =	vadd.f32 v9, v28;
	v53 =	vadd.f32 v36, v8;
	v8 =	vld [tilespmem:s24+$0x80]  }
0x1e6: {  	v54 =	vld [tilespmem:s16+$0x100];
	v10 =	vadd.f32 v10, v26;
	v32 =	vadd.f32 $0.0e+00, v50  }
0x1e7: {  	v55 =	vld [tilespmem:s24+$0x100];
	v7 =	vadd.f32 v35, v7;
	v9 =	vadd.f32 v11, v9  }
0x1e8: {  	v10 =	vadd.f32 v12, v10;
	v11 =	vld [tilespmem:s16+$0x180];
	v12 =	vadd.f32 $0.0e+00, v51  }
0x1e9: {  	v56 =	vld [tilespmem:s24+$0x180];
	v32 =	vadd.f32 v52, v32;
	v9 =	vadd.f32 v13, v9  }
0x1ea: {  	v10 =	vadd.f32 v14, v10;
	v13 =	vld [tilespmem:s16+$0x200];
	v8 =	vadd.f32 v8, v12  }
0x1eb: {  	v14 =	vld [tilespmem:s24+$0x200];
	v9 =	vadd.f32 v15, v9;
	v12 =	vadd.f32 v54, v32  }
0x1ec: {  	v10 =	vadd.f32 v16, v10;
	v15 =	vld [tilespmem:s16+$0x280];
	v8 =	vadd.f32 v55, v8  }
0x1ed: {  	v9 =	vadd.f32 v17, v9;
	v11 =	vadd.f32 v11, v12;
	v12 =	vld [tilespmem:s24+$0x280]  }
0x1ee: {  	v10 =	vadd.f32 v57, v10;
	v57 =	vld [tilespmem:s16+$0x300];
	v8 =	vadd.f32 v56, v8  }
0x1ef: {  	v9 =	vadd.f32 v19, v9;
	v11 =	vadd.f32 v13, v11;
	v13 =	vld [tilespmem:s24+$0x300]  }
0x1f0: {  	s25 =	sor.u32 $0x10100, s4;
	v10 =	vadd.f32 v58, v10;
	v58 =	vld [tilespmem:s16+$0x380];
	v8 =	vadd.f32 v14, v8  }
0x1f1: {  	s16 =	sor.u32 s1, s25;
	v9 =	vadd.f32 v21, v9;
	v11 =	vadd.f32 v15, v11;
	v14 =	vld [tilespmem:s24+$0x380]  }
0x1f2: {  	v10 =	vadd.f32 v22, v10;
	s24 =	sor.u32 s2, s25;
	s25 =	sor.u32 $0x10180, s4;
	v15 =	vld [tilespmem:s16+$0x0];
	v8 =	vadd.f32 v12, v8  }
0x1f3: {  	s16 =	sor.u32 s1, s25;
	v9 =	vadd.f32 v23, v9;
	v11 =	vadd.f32 v57, v11;
	v12 =	vld [tilespmem:s24+$0x0]  }
0x1f4: {  	v10 =	vadd.f32 v24, v10;
	s24 =	sor.u32 s2, s25;
	s25 =	sor.u32 $0x10200, s4;
	v59 =	vld [tilespmem:s16+$0x0];
	v8 =	vadd.f32 v13, v8  }
0x1f5: {  	s16 =	sor.u32 s1, s25;
	v9 =	vadd.f32 v25, v9;
	v11 =	vadd.f32 v58, v11;
	v13 =	vld [tilespmem:s24+$0x0]  }
0x1f6: {  	v10 =	vadd.f32 v60, v10;
	s24 =	sor.u32 s2, s25;
	s25 =	sor.u32 $0x10280, s4;
	v60 =	vld [tilespmem:s16+$0x0];
	v8 =	vadd.f32 v14, v8  }
0x1f7: {  	v7 =	vadd.f32 v37, v7;
	s15 =	sor.u32 s1, s25;
	v11 =	vadd.f32 v15, v11;
	v14 =	vld [tilespmem:s24+$0x0]  }
0x1f8: {  	s16 =	sand.u32 $0x380, s10;
	v15 =	vadd.f32 v61, v9;
	s24 =	sor.u32 s2, s25;
	s25 =	sor.u32 $0x10300, s4;
	v61 =	vld [tilespmem:s15+$0x0];
	v12 =	vadd.f32 v12, v8  }
0x1f9: {  	s10 =	simm.s32 $0x11500;
	s5 =	sor.u32 s5, s16;
	v9 =	vadd.f32 v63, v10;
	s15 =	sor.u32 s1, s25;
	v11 =	vadd.f32 v59, v11;
	v8 =	vld [tilespmem:s24+$0x0]  }
0x1fa: {  	s16 =	sand.u32 $0x380, s21;
	v63 =	vadd.f32 v49, v53;
	s24 =	sor.u32 s2, s25;
	s25 =	sor.u32 $0x10380, s4;
	v10 =	vld [tilespmem:s15+$0x0];
	v13 =	vadd.f32 v13, v12  }
0x1fb: {  	s21 =	simm.s32 $0x4;
	[tilespmem:s5+$0x11500] =	vst v7;
	s16 =	sor.u32 s23, s16;
	v62 =	vadd.f32 v48, v9;
	v9 =	vld [tilespmem:s24+$0x0];
	s23 =	sor.u32 s1, s25;
	v17 =	vadd.f32 v60, v11  }
0x1fc: {  	s5 =	sor.u32 s11, s14;
	[tilespmem:s10+$0x0] =	vst v63;
	s24 =	sor.u32 s2, s25;
	s25 =	sadd.s32 $0x10400, s4;
	v12 =	vld [tilespmem:s23+$0x0];
	v14 =	vadd.f32 v14, v13  }
0x1fd: {  	s11 =	simm.s32 $0x60;
	v7 =	vadd.f32 v47, v15;
	[tilespmem:s16+$0x11500] =	vst v62;
	v11 =	vld [tilespmem:s24+$0x0];
	s14 =	sor.u32 s2, s25;
	s15 =	sor.u32 s1, s25;
	v13 =	vadd.f32 v61, v17  }
.LBB2_16:
0x1fe: {  	s16 =	sand.u32 $0x60, s11;
	v8 =	vadd.f32 v8, v14;
	s23 =	sadd.s32 $0x10480, s4;
	v14 =	vld [tilespmem:s15+$0x0];
	s3 =	sadd.s32 $0x100, s3  }
0x1ff: {  	s21 =	sadd.s32 $0x2, s21;
	s4 =	sand.u32 $0x1C00, s3;
	v15 =	vld [tilespmem:s14+$0x0];
	v10 =	vadd.f32 v10, v13;
	s14 =	sor.u32 s1, s23  }
0x200: {  	s24 =	sor.u32 $0x10, s16;
	p3 =	slt.u32 s21, $0x26;
	s15 =	sadd.s32 $0xED00, s4;
	v8 =	vadd.f32 v9, v8;
	v9 =	vld [tilespmem:s14+$0x0]  }
0x201: {  	s14 =	sor.u32 s16, s15;
	s15 =	sor.u32 s24, s15;
	v10 =	vadd.f32 v12, v10;
	v12 =	vld [tilespmem:s5+$0x0];
	s5 =	sor.u32 s2, s23  }
0x202: {  	s2 =	smov.u32 s16;
	v13 =	vld [tilespmem:s15+$0x0];
	v8 =	vadd.f32 v11, v8  }
0x203: {  	v11 =	vld [tilespmem:s14+$0x0];
	v10 =	vadd.f32 v14, v10  }
0x204: {  	v14 =	vld [tilespmem:s15+$0x80];
	v8 =	vadd.f32 v15, v8  }
0x205: {  	s16 =	sand.u32 $0x380, s0;
	s0 =	smov.u32 s11;
	v15 =	vld [tilespmem:s14+$0x80];
	v9 =	vadd.f32 v9, v10  }
0x206: {  	s16 =	sor.u32 s1, s16;
	s1 =	smov.u32 s24;
	v10 =	vld [tilespmem:s15+$0x100];
	v12 =	vadd.f32 v12, v7;
	v7 =	vmov v8  }
0x207: {  	s10 =	sadd.s32 $0x20, s10;
	v8 =	vld [tilespmem:s14+$0x100];
	v13 =	vadd.f32 $0.0e+00, v13;
	[tilespmem:s16+$0x11500] =	vst v9  }
0x208: {  	v9 =	vadd.f32 $0.0e+00, v11;
	v11 =	vld [tilespmem:s15+$0x180];
	[tilespmem:s10+$0x0] =	vst v12  }
0x209: {  	v12 =	vld [tilespmem:s14+$0x180];
	v13 =	vadd.f32 v14, v13  }
0x20a: {  	v9 =	vadd.f32 v15, v9;
	v14 =	vld [tilespmem:s15+$0x200]  }
0x20b: {  	v15 =	vld [tilespmem:s14+$0x200];
	v10 =	vadd.f32 v10, v13  }
0x20c: {  	v8 =	vadd.f32 v8, v9;
	v9 =	vld [tilespmem:s15+$0x280]  }
0x20d: {  	v13 =	vld [tilespmem:s14+$0x280];
	v10 =	vadd.f32 v11, v10  }
0x20e: {  	v8 =	vadd.f32 v12, v8;
	v11 =	vld [tilespmem:s15+$0x300]  }
0x20f: {  	v12 =	vld [tilespmem:s14+$0x300];
	v10 =	vadd.f32 v14, v10  }
0x210: {  	s16 =	sor.u32 $0x10100, s4;
	v8 =	vadd.f32 v15, v8;
	v14 =	vld [tilespmem:s15+$0x380]  }
0x211: {  	s15 =	sor.u32 s1, s16;
	v15 =	vld [tilespmem:s14+$0x380];
	s14 =	sor.u32 s2, s16;
	v9 =	vadd.f32 v9, v10  }
0x212: {  	s16 =	sor.u32 $0x10180, s4;
	v8 =	vadd.f32 v13, v8;
	v10 =	vld [tilespmem:s15+$0x0]  }
0x213: {  	s15 =	sor.u32 s1, s16;
	v13 =	vld [tilespmem:s14+$0x0];
	s14 =	sor.u32 s2, s16;
	v9 =	vadd.f32 v11, v9  }
0x214: {  	s16 =	sor.u32 $0x10200, s4;
	v8 =	vadd.f32 v12, v8;
	v11 =	vld [tilespmem:s15+$0x0]  }
0x215: {  	s15 =	sor.u32 s1, s16;
	v12 =	vld [tilespmem:s14+$0x0];
	s14 =	sor.u32 s2, s16;
	v9 =	vadd.f32 v14, v9  }
0x216: {  	s16 =	sor.u32 $0x10280, s4;
	v8 =	vadd.f32 v15, v8;
	v14 =	vld [tilespmem:s15+$0x0]  }
0x217: {  	s15 =	sor.u32 s1, s16;
	v15 =	vld [tilespmem:s14+$0x0];
	s14 =	sor.u32 s2, s16;
	v9 =	vadd.f32 v10, v9  }
0x218: {  	s16 =	sor.u32 $0x10300, s4;
	v10 =	vadd.f32 v13, v8;
	v13 =	vld [tilespmem:s15+$0x0]  }
.Ltmp10:
0x219: {  	s15 =	sor.u32 s1, s16;
	v8 =	vld [tilespmem:s14+$0x0];
	s14 =	sor.u32 s2, s16;
	v11 =	vadd.f32 v11, v9;
	(pc) =	sbr.rel @p3 .LBB2_16-.Ltmp10, $4  }
0x21a: {  	s16 =	sor.u32 $0x10380, s4;
	v12 =	vadd.f32 v12, v10;
	v10 =	vld [tilespmem:s15+$0x0]  }
0x21b: {  	s15 =	sor.u32 s1, s16;
	v9 =	vld [tilespmem:s14+$0x0];
	s14 =	sor.u32 s2, s16;
	v16 =	vadd.f32 v14, v11  }
0x21c: {  	s16 =	sadd.s32 $0x10400, s4;
	v14 =	vadd.f32 v15, v12;
	v12 =	vld [tilespmem:s15+$0x0]  }
0x21d: {  	s11 =	sadd.s32 $0x20, s11;
	s15 =	sor.u32 s1, s16;
	v11 =	vld [tilespmem:s14+$0x0];
	s14 =	sor.u32 s2, s16;
	v13 =	vadd.f32 v13, v16  }
0x21e: {  	v15 =	vld [tilespmem:s15+$0x0]  }
0x21f: {  	s3 =	sadd.s32 $0x10480, s4;
	v8 =	vadd.f32 v8, v14;
	v59 =	vld [tilespmem:s14+$0x0]  }
0x220: {  	v62 =	vld [tilespmem:s5+$0x0];
	v10 =	vadd.f32 v10, v13;
	s4 =	sor.u32 s1, s3  }
0x221: {  	s2 =	sor.u32 s2, s3;
	v60 =	vld [tilespmem:s4+$0x0];
	v8 =	vadd.f32 v9, v8  }
0x222: {  	v63 =	vld [tilespmem:s2+$0x0];
	v61 =	vadd.f32 v12, v10  }
0x223: {  	v8 =	vadd.f32 v11, v8  }
0x224: {  	v9 =	vadd.f32 v15, v61  }
0x225: {  	v7 =	vadd.f32 v62, v7;
	v8 =	vadd.f32 v59, v8  }
0x226: {  	s0 =	sand.u32 $0x380, s0;
	s21 =	sadd.s32 $0x20, s10;
	v9 =	vadd.f32 v60, v9  }
0x227: {  	s0 =	sor.u32 s1, s0;
	[tilespmem:s21+$0x0] =	vst v7;
	v8 =	vadd.f32 v63, v8  }
0x228: {  	[tilespmem:s0+$0x11500] =	vst v9;
	s0 =	sadd.s32 $0x20, s21  }
0x229: {  	[tilespmem:s0+$0x0] =	vst v8  }
0x22a: {  	s23 =	simm.s32 $0x11500;
	s24 =	simm.s32 $0x100;
	s0 =	rddreg [dreg:$0x9]  }
0x22b: {  	[hbm4b:s0+s20] =	stream.strided.scatter [tilespmem:s23], [sflag:$0x2], $0x280, s24, s20, $0x38;
	[tilespmem:$0x14200] =	vst v63  }
0x22c: {  	_ =	swait.ge [sflag:s22], $0x280  }
0x22d: {  	s30 =	sadd.s32 $0x1, s30;
	s25 =	rddreg [dreg:$0xa]  }
0x22e: {  	p3 =	sne.s32 s30, s25  }
.Ltmp11:
0x22f: {  	_ = 	snop;
	(pc) =	sbr.rel @p3 .LBB2_1-.Ltmp11, $3  }
0x230: {  	_ =	sdelay $0x1  }
0x231: {  	[sflag:s22] =	ssyncset.done $0x0  }
0x232: {  	[sflag:s22] =	ssyncadd.s32 $0xFFFFFD80  }
0x233: {  	_ =	sfence.sel $0x180000  }
0x234: {  	[bflag:$0x0] =	sbarrier.arrive $0xFFFF  }
0x235: {  	_ =	strace $0x90000047  }
0x236: {  	s0 =	stileid.u32;
	[bflag:$0x2] =	sbarrier.arrive $0xFFFF  }
0x237: {  	p0 =	sne.s32 s0, $0x0;
	s0 =	rddreg [dreg:$0x4]  }
0x238: {  	s0 =	sadd.s32 @!p0 $0x100000, s0  }
0x239: {  	[sflag:s0] =	ssyncadd.tile.s32 @!p0 $0x1;
	_ =	shalt  }
.Lfunc_end2:
_tile_overlayer_lowered:
.L_overlay_start_2:
0x23a: {  	(tag) =	ssettag $0x2  }
0x23b: {  	s0 =	rddreg [dreg:$0x0];
	s2 =	stileid.u32  }
0x23c: {  	s1 =	rddreg [dreg:$0x1];
	p0 =	sne.s32 s2, $0x0  }
0x23d: {  	s3 =	rddreg [dreg:$0x2];
	[bflag:$0x3] =	sbarrier.arrive $0xFFFF;
	s2 =	simm.s32 @!p0 $0x1C02  }
0x23e: {  	[timem:s3], [sflag:s2] =	dma.local @!p0 [hbm:s0], s1  }
0x23f: {  	s0 =	simm.s32 @!p0 $0x2  }
0x240: {  	_ =	swait.ge @!p0 [sflag:s0], s1  }
0x241: {  	s1 =	ssub.s32 @!p0 $0x0, s1;
	[sflag:s0] =	ssyncset.done @!p0 $0x0  }
0x242: {  	[sflag:s0] =	ssyncadd.s32 @!p0 s1  }
0x243: {  	[bflag:$0x3] =	sbarrier.arrive $0xFFFF  }
0x244: {  	_ =	shalt  }

</sc_bundles>
